<compile_context>
chip_gen: v7x
topology: tpu7x:2x2x1
jax: 0.10.2.dev20260603
libtpu: 0.0.44.dev20260713+nightly
codegen_flags: <defaults>
</compile_context>

<pallas_src>
import functools
import math

import jax
import jax.numpy as jnp
from jax import lax
from jax.experimental import pallas as pl
from jax.experimental.pallas import tpu as pltpu
from jax.experimental.pallas import tpu_sc as plsc

D_MODEL = 64
D_PAD = 128
SCALE = math.sqrt(D_MODEL)
NUM_WORKERS = 32
CHUNK = 128
NBUF = 4


def _sc_gather(idx_flat, table_pad, n_idx):
    i_per_w = n_idx // NUM_WORKERS
    n_chunks = i_per_w // CHUNK
    assert n_chunks % NBUF == 0 and CHUNK % 8 == 0
    mesh = plsc.VectorSubcoreMesh(core_axis_name="c", subcore_axis_name="s")

    @functools.partial(
        pl.kernel,
        out_type=jax.ShapeDtypeStruct((n_idx, D_MODEL), jnp.float32),
        mesh=mesh,
        scratch_types=[
            pltpu.VMEM((i_per_w,), jnp.int32),
            pltpu.VMEM((CHUNK, D_PAD), jnp.float32),
            pltpu.VMEM((CHUNK, D_PAD), jnp.float32),
            pltpu.VMEM((CHUNK, D_PAD), jnp.float32),
            pltpu.VMEM((CHUNK, D_PAD), jnp.float32),
            pltpu.VMEM((CHUNK, D_MODEL), jnp.float32),
            pltpu.VMEM((CHUNK, D_MODEL), jnp.float32),
            pltpu.SemaphoreType.DMA,
            pltpu.SemaphoreType.DMA,
            pltpu.SemaphoreType.DMA,
            pltpu.SemaphoreType.DMA,
            pltpu.SemaphoreType.DMA,
            pltpu.SemaphoreType.DMA,
        ],
        compiler_params=pltpu.CompilerParams(use_tc_tiling_on_sc=True),
    )
    def k(idx_hbm, table_hbm, out_hbm, idx_slab, g0, g1, g2, g3, sb0, sb1,
          gs0, gs1, gs2, gs3, ss0, ss1):
        ga = (g0, g1, g2, g3)
        sb = (sb0, sb1)
        gsem = (gs0, gs1, gs2, gs3)
        ssem = (ss0, ss1)
        wid = lax.axis_index("s") * 2 + lax.axis_index("c")
        base = wid * i_per_w

        pltpu.sync_copy(idx_hbm.at[pl.ds(base, i_per_w)], idx_slab)

        def start_gather(ci, buf):
            pltpu.async_copy(
                table_hbm.at[idx_slab.at[pl.ds(ci * CHUNK, CHUNK)]], ga[buf],
                gsem[buf])

        def wait_gather(buf):
            pltpu.make_async_copy(
                table_hbm.at[idx_slab.at[pl.ds(0, CHUNK)]], ga[buf],
                gsem[buf]).wait()

        def scale_buf(gbuf, cbuf):
            def scale_row(i, carry):
                for j in range(D_MODEL // 16):
                    s = pl.ds(j * 16, 16)
                    sb[cbuf][i, s] = ga[gbuf][i, s] * SCALE
                return carry
            lax.fori_loop(0, CHUNK, scale_row, 0, unroll=4)

        def start_store(ci, cbuf):
            pltpu.async_copy(sb[cbuf],
                             out_hbm.at[pl.ds(base + ci * CHUNK, CHUNK)],
                             ssem[cbuf])

        def wait_store(cbuf):
            pltpu.make_async_copy(sb[cbuf], out_hbm.at[pl.ds(0, CHUNK)],
                                  ssem[cbuf]).wait()

        for p in range(NBUF - 1):
            start_gather(p, p)

        def outer(g, carry):
            for buf in range(NBUF):
                ci = NBUF * g + buf
                nxt = (buf + NBUF - 1) % NBUF
                cbuf = buf % 2
                wait_gather(buf)
                @pl.when(ci + NBUF - 1 < n_chunks)
                def _():
                    start_gather(ci + NBUF - 1, nxt)
                @pl.when(ci >= 2)
                def _():
                    wait_store(cbuf)
                scale_buf(buf, cbuf)
                start_store(ci, cbuf)
            return carry

        lax.fori_loop(0, n_chunks // NBUF, outer, 0)
        wait_store(0)
        wait_store(1)

    return k(idx_flat, table_pad)


def kernel(x, table):
    batch, seq = x.shape
    idx_flat = x.reshape(batch * seq)
    table_pad = jnp.pad(table, ((0, 0), (0, D_PAD - D_MODEL)))
    out = _sc_gather(idx_flat, table_pad, batch * seq)
    return out.reshape(batch, seq, D_MODEL)

# --- scband reference (transcript-rebuilt; emitter-appended) ---
"""Pipeline reference for scband-input-embedding-67156108640588 (READ-ONLY COPY).

The authoritative reference and input builder live on the scoring server;
editing this copy changes nothing except your own understanding.
"""

import jax, jax.numpy as jnp
import numpy as np
import math

D_MODEL = 64
VOCAB = 1000000

def setup_inputs(seed: int = 0) -> dict:
    key = jax.random.key(seed)
    k1, k2 = jax.random.split(key)
    x = jax.random.randint(k1, (4096, 200), 0, VOCAB, dtype=jnp.int64) if jax.config.jax_enable_x64 else jax.random.randint(k1, (4096, 200), 0, VOCAB, dtype=jnp.int32)
    table = jax.random.normal(k2, (VOCAB, D_MODEL), dtype=jnp.float32) * 0.02
    return {"x": x, "table": table}

def reference(x, table):
    # InputEmbedding.forward: embedding lookup scaled by sqrt(d_model)
    emb = jnp.take(table, x, axis=0)
    return emb * math.sqrt(D_MODEL)

if __name__ == "__main__":
    import jax
    _d = setup_inputs()
    print(jax.jit(kernel)(*tuple(_d.values())))

</pallas_src>

<mosaic_0001>
#map = affine_map<(d0, d1) -> (0)>
#map1 = affine_map<(d0, d1) -> (0, 0)>
module attributes {stable_mosaic.version = 14 : i64} {
  func.func @k(%arg0: i32, %arg1: i32, %arg2: memref<819200xi32, #tpu.memory_space<hbm>>, %arg3: memref<1000000x128xf32, #tpu.memory_space<hbm>>, %arg4: memref<819200x64xf32, #tpu.memory_space<hbm>>, %arg5: memref<25600xi32, #tpu.memory_space<vmem>>, %arg6: memref<128x128xf32, #tpu.memory_space<vmem>>, %arg7: memref<128x128xf32, #tpu.memory_space<vmem>>, %arg8: memref<128x128xf32, #tpu.memory_space<vmem>>, %arg9: memref<128x128xf32, #tpu.memory_space<vmem>>, %arg10: memref<128x64xf32, #tpu.memory_space<vmem>>, %arg11: memref<128x64xf32, #tpu.memory_space<vmem>>, %arg12: memref<!tpu.dma_semaphore, #tpu.memory_space<semaphore_mem>>, %arg13: memref<!tpu.dma_semaphore, #tpu.memory_space<semaphore_mem>>, %arg14: memref<!tpu.dma_semaphore, #tpu.memory_space<semaphore_mem>>, %arg15: memref<!tpu.dma_semaphore, #tpu.memory_space<semaphore_mem>>, %arg16: memref<!tpu.dma_semaphore, #tpu.memory_space<semaphore_mem>>, %arg17: memref<!tpu.dma_semaphore, #tpu.memory_space<semaphore_mem>>) attributes {dimension_semantics = [#tpu.dimension_semantics<core_parallel>, #tpu.dimension_semantics<subcore_parallel>], iteration_bounds = array<i64: 2, 16>, scalar_prefetch = 0 : i64, scratch_operands = 13 : i64, tpu.core_type = #tpu.core_type<sc_vector_subcore>, window_params = [{transform_indices = #map}, {transform_indices = #map1}, {transform_indices = #map1}]} {
    %mul3A = arith.constant 2 : i32
    %mul3A_0 = arith.muli %arg1, %mul3A : i32
    %add3A = arith.addi %mul3A_0, %arg0 : i32
    %mul3A_1 = arith.constant 25600 : i32
    %mul3A_2 = arith.muli %add3A, %mul3A_1 : i32
    "tpu.region"() ({
      %run_scoped3A = tpu.sem_alloc : memref<!tpu.dma_semaphore, #tpu.memory_space<semaphore_mem>>
      %dma_start3A_33 = tpu.memref_slice %arg2[%mul3A_2] : memref<819200xi32, #tpu.memory_space<hbm>> -> memref<25600xi32, #tpu.memory_space<hbm>>
      %dma_start3A_34 = tpu.memref_slice %arg2[%mul3A_2] : memref<819200xi32, #tpu.memory_space<hbm>> -> memref<25600xi32, #tpu.memory_space<hbm>>
      tpu.enqueue_dma source(%dma_start3A_34 : memref<25600xi32, #tpu.memory_space<hbm>>) target(%arg5 : memref<25600xi32, #tpu.memory_space<vmem>>) target_semaphore(%run_scoped3A : memref<!tpu.dma_semaphore, #tpu.memory_space<semaphore_mem>>)
      %dma_wait3A_35 = tpu.memref_slice %arg2[%mul3A_2] : memref<819200xi32, #tpu.memory_space<hbm>> -> memref<25600xi32, #tpu.memory_space<hbm>>
      %dma_wait3A_36 = tpu.memref_slice %arg2[%mul3A_2] : memref<819200xi32, #tpu.memory_space<hbm>> -> memref<25600xi32, #tpu.memory_space<hbm>>
      tpu.wait_dma2 semaphore(%run_scoped3A : memref<!tpu.dma_semaphore, #tpu.memory_space<semaphore_mem>>) src(%dma_wait3A_36 : memref<25600xi32, #tpu.memory_space<hbm>>) dst(%arg5 : memref<25600xi32, #tpu.memory_space<vmem>>)
      tpu.yield
    }) : () -> ()
    %dma_start3A = arith.constant 0 : i32
    %dma_start3A_3 = tpu.memref_slice %arg5[%dma_start3A] : memref<25600xi32, #tpu.memory_space<vmem>> -> memref<128xi32, #tpu.memory_space<vmem>>
    %dma_start3A_4 = arith.constant 0 : i32
    %dma_start3A_5 = arith.constant 0 : i32
    %dma_start3A_6 = tpu.memref_slice %arg3[%dma_start3A_4, %dma_start3A_5] : memref<1000000x128xf32, #tpu.memory_space<hbm>> -> memref<1000000x128xf32, #tpu.memory_space<hbm>>
    tpu.enqueue_indirect_dma source(%dma_start3A_6 : memref<1000000x128xf32, #tpu.memory_space<hbm>>) target(%arg6 : memref<128x128xf32, #tpu.memory_space<vmem>>) offsets(%dma_start3A_3 : memref<128xi32, #tpu.memory_space<vmem>>) semaphore(%arg12 : memref<!tpu.dma_semaphore, #tpu.memory_space<semaphore_mem>>)
    %dma_start3A_7 = arith.constant 128 : i32
    %dma_start3A_8 = tpu.memref_slice %arg5[%dma_start3A_7] : memref<25600xi32, #tpu.memory_space<vmem>> -> memref<128xi32, #tpu.memory_space<vmem>>
    %dma_start3A_9 = arith.constant 0 : i32
    %dma_start3A_10 = arith.constant 0 : i32
    %dma_start3A_11 = tpu.memref_slice %arg3[%dma_start3A_9, %dma_start3A_10] : memref<1000000x128xf32, #tpu.memory_space<hbm>> -> memref<1000000x128xf32, #tpu.memory_space<hbm>>
    tpu.enqueue_indirect_dma source(%dma_start3A_11 : memref<1000000x128xf32, #tpu.memory_space<hbm>>) target(%arg7 : memref<128x128xf32, #tpu.memory_space<vmem>>) offsets(%dma_start3A_8 : memref<128xi32, #tpu.memory_space<vmem>>) semaphore(%arg13 : memref<!tpu.dma_semaphore, #tpu.memory_space<semaphore_mem>>)
    %dma_start3A_12 = arith.constant 256 : i32
    %dma_start3A_13 = tpu.memref_slice %arg5[%dma_start3A_12] : memref<25600xi32, #tpu.memory_space<vmem>> -> memref<128xi32, #tpu.memory_space<vmem>>
    %dma_start3A_14 = arith.constant 0 : i32
    %dma_start3A_15 = arith.constant 0 : i32
    %dma_start3A_16 = tpu.memref_slice %arg3[%dma_start3A_14, %dma_start3A_15] : memref<1000000x128xf32, #tpu.memory_space<hbm>> -> memref<1000000x128xf32, #tpu.memory_space<hbm>>
    tpu.enqueue_indirect_dma source(%dma_start3A_16 : memref<1000000x128xf32, #tpu.memory_space<hbm>>) target(%arg8 : memref<128x128xf32, #tpu.memory_space<vmem>>) offsets(%dma_start3A_13 : memref<128xi32, #tpu.memory_space<vmem>>) semaphore(%arg14 : memref<!tpu.dma_semaphore, #tpu.memory_space<semaphore_mem>>)
    %scan3A = arith.constant 0 : i32
    %scan3A_17 = arith.constant 0 : i32
    %scan3A_18 = arith.constant 50 : i32
    %scan3A_19 = arith.addi %scan3A_17, %scan3A_18 : i32
    %scan3A_20 = arith.constant 1 : i32
    scf.for %scan3A_33 = %scan3A_17 to %scan3A_19 step %scan3A_20  : i32 {
      %mul3A_34 = arith.constant 4 : i32
      %mul3A_35 = arith.muli %mul3A_34, %scan3A_33 : i32
      %add3A_36 = arith.constant 0 : i32
      %add3A_37 = arith.addi %mul3A_35, %add3A_36 : i32
      %dma_wait3A_38 = arith.constant 0 : i32
      %dma_wait3A_39 = tpu.memref_slice %arg5[%dma_wait3A_38] : memref<25600xi32, #tpu.memory_space<vmem>> -> memref<128xi32, #tpu.memory_space<vmem>>
      %dma_wait3A_40 = arith.constant 0 : i32
      %dma_wait3A_41 = arith.constant 0 : i32
      %dma_wait3A_42 = tpu.memref_slice %arg3[%dma_wait3A_40, %dma_wait3A_41] : memref<1000000x128xf32, #tpu.memory_space<hbm>> -> memref<1000000x128xf32, #tpu.memory_space<hbm>>
      tpu.wait_indirect_dma semaphore(%arg12 : memref<!tpu.dma_semaphore, #tpu.memory_space<semaphore_mem>>) src(%dma_wait3A_42 : memref<1000000x128xf32, #tpu.memory_space<hbm>>) dst(%arg6 : memref<128x128xf32, #tpu.memory_space<vmem>>)
      %add3A_43 = arith.constant 4 : i32
      %add3A_44 = arith.addi %add3A_37, %add3A_43 : i32
      %sub3A = arith.constant 1 : i32
      %sub3A_45 = arith.subi %add3A_44, %sub3A : i32
      %lt3A = arith.constant 200 : i32
      %lt3A_46 = arith.cmpi slt, %sub3A_45, %lt3A : i32
      %convert_element_type3A = arith.extui %lt3A_46 : i1 to i32
      %cond3A = arith.constant 0 : i32
      %cond3A_47 = arith.cmpi ne, %convert_element_type3A, %cond3A : i32
      scf.if %cond3A_47 {
        %add3A_173 = arith.constant 4 : i32
        %add3A_174 = arith.addi %add3A_37, %add3A_173 : i32
        %sub3A_175 = arith.constant 1 : i32
        %sub3A_176 = arith.subi %add3A_174, %sub3A_175 : i32
        %mul3A_177 = arith.constant 128 : i32
        %mul3A_178 = arith.muli %sub3A_176, %mul3A_177 : i32
        %dma_start3A_179 = tpu.memref_slice %arg5[%mul3A_178] : memref<25600xi32, #tpu.memory_space<vmem>> -> memref<128xi32, #tpu.memory_space<vmem>>
        %dma_start3A_180 = arith.constant 0 : i32
        %dma_start3A_181 = arith.constant 0 : i32
        %dma_start3A_182 = tpu.memref_slice %arg3[%dma_start3A_180, %dma_start3A_181] : memref<1000000x128xf32, #tpu.memory_space<hbm>> -> memref<1000000x128xf32, #tpu.memory_space<hbm>>
        tpu.enqueue_indirect_dma source(%dma_start3A_182 : memref<1000000x128xf32, #tpu.memory_space<hbm>>) target(%arg9 : memref<128x128xf32, #tpu.memory_space<vmem>>) offsets(%dma_start3A_179 : memref<128xi32, #tpu.memory_space<vmem>>) semaphore(%arg15 : memref<!tpu.dma_semaphore, #tpu.memory_space<semaphore_mem>>)
      } else {
      }
      %ge3A = arith.constant 2 : i32
      %ge3A_48 = arith.cmpi sge, %add3A_37, %ge3A : i32
      %convert_element_type3A_49 = arith.extui %ge3A_48 : i1 to i32
      %cond3A_50 = arith.constant 0 : i32
      %cond3A_51 = arith.cmpi ne, %convert_element_type3A_49, %cond3A_50 : i32
      scf.if %cond3A_51 {
        %dma_wait3A_173 = arith.constant 0 : i32
        %dma_wait3A_174 = arith.constant 0 : i32
        %dma_wait3A_175 = tpu.memref_slice %arg4[%dma_wait3A_173, %dma_wait3A_174] : memref<819200x64xf32, #tpu.memory_space<hbm>> -> memref<128x64xf32, #tpu.memory_space<hbm>>
        %dma_wait3A_176 = arith.constant 0 : i32
        %dma_wait3A_177 = arith.constant 0 : i32
        %dma_wait3A_178 = tpu.memref_slice %arg4[%dma_wait3A_176, %dma_wait3A_177] : memref<819200x64xf32, #tpu.memory_space<hbm>> -> memref<128x64xf32, #tpu.memory_space<hbm>>
        tpu.wait_dma2 semaphore(%arg16 : memref<!tpu.dma_semaphore, #tpu.memory_space<semaphore_mem>>) src(%arg10 : memref<128x64xf32, #tpu.memory_space<vmem>>) dst(%dma_wait3A_178 : memref<128x64xf32, #tpu.memory_space<hbm>>)
      } else {
      }
      %scan3A_52 = arith.constant 0 : i32
      %scan3A_53 = arith.constant 0 : i32
      %scan3A_54 = arith.constant 128 : i32
      %scan3A_55 = arith.addi %scan3A_53, %scan3A_54 : i32
      %scan3A_56 = arith.constant 4 : i32
      scf.for %scan3A_173 = %scan3A_53 to %scan3A_55 step %scan3A_56  : i32 {
        %get3A = arith.index_cast %scan3A_173 : i32 to index
        %get3A_174 = arith.constant 0 : index
        %get3A_175 = tpu.vector_load %arg6[%get3A, %get3A_174] {strides = array<i32>} : memref<128x128xf32, #tpu.memory_space<vmem>>, vector<1x16xf32>,
        %get3A_176 = vector.shape_cast %get3A_175 : vector<1x16xf32> to vector<16xf32>
        %mul3A_177 = arith.constant 8.000000e+00 : f32
        %mul3A_178 = vector.broadcast %mul3A_177 : f32 to vector<16xf32>
        %mul3A_179 = arith.mulf %get3A_176, %mul3A_178 : vector<16xf32>
        %swap3A = arith.index_cast %scan3A_173 : i32 to index
        %swap3A_180 = arith.constant 0 : index
        %swap3A_181 = tpu.vector_load %arg10[%swap3A, %swap3A_180] {strides = array<i32>} : memref<128x64xf32, #tpu.memory_space<vmem>>, vector<1x16xf32>,
        %swap3A_182 = vector.shape_cast %swap3A_181 : vector<1x16xf32> to vector<16xf32>
        %swap3A_183 = vector.shape_cast %mul3A_179 : vector<16xf32> to vector<1x16xf32>
        tpu.vector_store %arg10[%swap3A, %swap3A_180], %swap3A_183 {strides = array<i32>} : memref<128x64xf32, #tpu.memory_space<vmem>>, vector<1x16xf32>,
        %get3A_184 = arith.index_cast %scan3A_173 : i32 to index
        %get3A_185 = arith.constant 16 : index
        %get3A_186 = tpu.vector_load %arg6[%get3A_184, %get3A_185] {strides = array<i32>} : memref<128x128xf32, #tpu.memory_space<vmem>>, vector<1x16xf32>,
        %get3A_187 = vector.shape_cast %get3A_186 : vector<1x16xf32> to vector<16xf32>
        %mul3A_188 = arith.constant 8.000000e+00 : f32
        %mul3A_189 = vector.broadcast %mul3A_188 : f32 to vector<16xf32>
        %mul3A_190 = arith.mulf %get3A_187, %mul3A_189 : vector<16xf32>
        %swap3A_191 = arith.index_cast %scan3A_173 : i32 to index
        %swap3A_192 = arith.constant 16 : index
        %swap3A_193 = tpu.vector_load %arg10[%swap3A_191, %swap3A_192] {strides = array<i32>} : memref<128x64xf32, #tpu.memory_space<vmem>>, vector<1x16xf32>,
        %swap3A_194 = vector.shape_cast %swap3A_193 : vector<1x16xf32> to vector<16xf32>
        %swap3A_195 = vector.shape_cast %mul3A_190 : vector<16xf32> to vector<1x16xf32>
        tpu.vector_store %arg10[%swap3A_191, %swap3A_192], %swap3A_195 {strides = array<i32>} : memref<128x64xf32, #tpu.memory_space<vmem>>, vector<1x16xf32>,
        %get3A_196 = arith.index_cast %scan3A_173 : i32 to index
        %get3A_197 = arith.constant 32 : index
        %get3A_198 = tpu.vector_load %arg6[%get3A_196, %get3A_197] {strides = array<i32>} : memref<128x128xf32, #tpu.memory_space<vmem>>, vector<1x16xf32>,
        %get3A_199 = vector.shape_cast %get3A_198 : vector<1x16xf32> to vector<16xf32>
        %mul3A_200 = arith.constant 8.000000e+00 : f32
        %mul3A_201 = vector.broadcast %mul3A_200 : f32 to vector<16xf32>
        %mul3A_202 = arith.mulf %get3A_199, %mul3A_201 : vector<16xf32>
        %swap3A_203 = arith.index_cast %scan3A_173 : i32 to index
        %swap3A_204 = arith.constant 32 : index
        %swap3A_205 = tpu.vector_load %arg10[%swap3A_203, %swap3A_204] {strides = array<i32>} : memref<128x64xf32, #tpu.memory_space<vmem>>, vector<1x16xf32>,
        %swap3A_206 = vector.shape_cast %swap3A_205 : vector<1x16xf32> to vector<16xf32>
        %swap3A_207 = vector.shape_cast %mul3A_202 : vector<16xf32> to vector<1x16xf32>
        tpu.vector_store %arg10[%swap3A_203, %swap3A_204], %swap3A_207 {strides = array<i32>} : memref<128x64xf32, #tpu.memory_space<vmem>>, vector<1x16xf32>,
        %get3A_208 = arith.index_cast %scan3A_173 : i32 to index
        %get3A_209 = arith.constant 48 : index
        %get3A_210 = tpu.vector_load %arg6[%get3A_208, %get3A_209] {strides = array<i32>} : memref<128x128xf32, #tpu.memory_space<vmem>>, vector<1x16xf32>,
        %get3A_211 = vector.shape_cast %get3A_210 : vector<1x16xf32> to vector<16xf32>
        %mul3A_212 = arith.constant 8.000000e+00 : f32
        %mul3A_213 = vector.broadcast %mul3A_212 : f32 to vector<16xf32>
        %mul3A_214 = arith.mulf %get3A_211, %mul3A_213 : vector<16xf32>
        %swap3A_215 = arith.index_cast %scan3A_173 : i32 to index
        %swap3A_216 = arith.constant 48 : index
        %swap3A_217 = tpu.vector_load %arg10[%swap3A_215, %swap3A_216] {strides = array<i32>} : memref<128x64xf32, #tpu.memory_space<vmem>>, vector<1x16xf32>,
        %swap3A_218 = vector.shape_cast %swap3A_217 : vector<1x16xf32> to vector<16xf32>
        %swap3A_219 = vector.shape_cast %mul3A_214 : vector<16xf32> to vector<1x16xf32>
        tpu.vector_store %arg10[%swap3A_215, %swap3A_216], %swap3A_219 {strides = array<i32>} : memref<128x64xf32, #tpu.memory_space<vmem>>, vector<1x16xf32>,
        %scan3A_220 = arith.constant 1 : i32
        %scan3A_221 = arith.addi %scan3A_173, %scan3A_220 : i32
        %get3A_222 = arith.index_cast %scan3A_221 : i32 to index
        %get3A_223 = arith.constant 0 : index
        %get3A_224 = tpu.vector_load %arg6[%get3A_222, %get3A_223] {strides = array<i32>} : memref<128x128xf32, #tpu.memory_space<vmem>>, vector<1x16xf32>,
        %get3A_225 = vector.shape_cast %get3A_224 : vector<1x16xf32> to vector<16xf32>
        %mul3A_226 = arith.constant 8.000000e+00 : f32
        %mul3A_227 = vector.broadcast %mul3A_226 : f32 to vector<16xf32>
        %mul3A_228 = arith.mulf %get3A_225, %mul3A_227 : vector<16xf32>
        %swap3A_229 = arith.index_cast %scan3A_221 : i32 to index
        %swap3A_230 = arith.constant 0 : index
        %swap3A_231 = tpu.vector_load %arg10[%swap3A_229, %swap3A_230] {strides = array<i32>} : memref<128x64xf32, #tpu.memory_space<vmem>>, vector<1x16xf32>,
        %swap3A_232 = vector.shape_cast %swap3A_231 : vector<1x16xf32> to vector<16xf32>
        %swap3A_233 = vector.shape_cast %mul3A_228 : vector<16xf32> to vector<1x16xf32>
        tpu.vector_store %arg10[%swap3A_229, %swap3A_230], %swap3A_233 {strides = array<i32>} : memref<128x64xf32, #tpu.memory_space<vmem>>, vector<1x16xf32>,
        %get3A_234 = arith.index_cast %scan3A_221 : i32 to index
        %get3A_235 = arith.constant 16 : index
        %get3A_236 = tpu.vector_load %arg6[%get3A_234, %get3A_235] {strides = array<i32>} : memref<128x128xf32, #tpu.memory_space<vmem>>, vector<1x16xf32>,
        %get3A_237 = vector.shape_cast %get3A_236 : vector<1x16xf32> to vector<16xf32>
        %mul3A_238 = arith.constant 8.000000e+00 : f32
        %mul3A_239 = vector.broadcast %mul3A_238 : f32 to vector<16xf32>
        %mul3A_240 = arith.mulf %get3A_237, %mul3A_239 : vector<16xf32>
        %swap3A_241 = arith.index_cast %scan3A_221 : i32 to index
        %swap3A_242 = arith.constant 16 : index
        %swap3A_243 = tpu.vector_load %arg10[%swap3A_241, %swap3A_242] {strides = array<i32>} : memref<128x64xf32, #tpu.memory_space<vmem>>, vector<1x16xf32>,
        %swap3A_244 = vector.shape_cast %swap3A_243 : vector<1x16xf32> to vector<16xf32>
        %swap3A_245 = vector.shape_cast %mul3A_240 : vector<16xf32> to vector<1x16xf32>
        tpu.vector_store %arg10[%swap3A_241, %swap3A_242], %swap3A_245 {strides = array<i32>} : memref<128x64xf32, #tpu.memory_space<vmem>>, vector<1x16xf32>,
        %get3A_246 = arith.index_cast %scan3A_221 : i32 to index
        %get3A_247 = arith.constant 32 : index
        %get3A_248 = tpu.vector_load %arg6[%get3A_246, %get3A_247] {strides = array<i32>} : memref<128x128xf32, #tpu.memory_space<vmem>>, vector<1x16xf32>,
        %get3A_249 = vector.shape_cast %get3A_248 : vector<1x16xf32> to vector<16xf32>
        %mul3A_250 = arith.constant 8.000000e+00 : f32
        %mul3A_251 = vector.broadcast %mul3A_250 : f32 to vector<16xf32>
        %mul3A_252 = arith.mulf %get3A_249, %mul3A_251 : vector<16xf32>
        %swap3A_253 = arith.index_cast %scan3A_221 : i32 to index
        %swap3A_254 = arith.constant 32 : index
        %swap3A_255 = tpu.vector_load %arg10[%swap3A_253, %swap3A_254] {strides = array<i32>} : memref<128x64xf32, #tpu.memory_space<vmem>>, vector<1x16xf32>,
        %swap3A_256 = vector.shape_cast %swap3A_255 : vector<1x16xf32> to vector<16xf32>
        %swap3A_257 = vector.shape_cast %mul3A_252 : vector<16xf32> to vector<1x16xf32>
        tpu.vector_store %arg10[%swap3A_253, %swap3A_254], %swap3A_257 {strides = array<i32>} : memref<128x64xf32, #tpu.memory_space<vmem>>, vector<1x16xf32>,
        %get3A_258 = arith.index_cast %scan3A_221 : i32 to index
        %get3A_259 = arith.constant 48 : index
        %get3A_260 = tpu.vector_load %arg6[%get3A_258, %get3A_259] {strides = array<i32>} : memref<128x128xf32, #tpu.memory_space<vmem>>, vector<1x16xf32>,
        %get3A_261 = vector.shape_cast %get3A_260 : vector<1x16xf32> to vector<16xf32>
        %mul3A_262 = arith.constant 8.000000e+00 : f32
        %mul3A_263 = vector.broadcast %mul3A_262 : f32 to vector<16xf32>
        %mul3A_264 = arith.mulf %get3A_261, %mul3A_263 : vector<16xf32>
        %swap3A_265 = arith.index_cast %scan3A_221 : i32 to index
        %swap3A_266 = arith.constant 48 : index
        %swap3A_267 = tpu.vector_load %arg10[%swap3A_265, %swap3A_266] {strides = array<i32>} : memref<128x64xf32, #tpu.memory_space<vmem>>, vector<1x16xf32>,
        %swap3A_268 = vector.shape_cast %swap3A_267 : vector<1x16xf32> to vector<16xf32>
        %swap3A_269 = vector.shape_cast %mul3A_264 : vector<16xf32> to vector<1x16xf32>
        tpu.vector_store %arg10[%swap3A_265, %swap3A_266], %swap3A_269 {strides = array<i32>} : memref<128x64xf32, #tpu.memory_space<vmem>>, vector<1x16xf32>,
        %scan3A_270 = arith.constant 2 : i32
        %scan3A_271 = arith.addi %scan3A_173, %scan3A_270 : i32
        %get3A_272 = arith.index_cast %scan3A_271 : i32 to index
        %get3A_273 = arith.constant 0 : index
        %get3A_274 = tpu.vector_load %arg6[%get3A_272, %get3A_273] {strides = array<i32>} : memref<128x128xf32, #tpu.memory_space<vmem>>, vector<1x16xf32>,
        %get3A_275 = vector.shape_cast %get3A_274 : vector<1x16xf32> to vector<16xf32>
        %mul3A_276 = arith.constant 8.000000e+00 : f32
        %mul3A_277 = vector.broadcast %mul3A_276 : f32 to vector<16xf32>
        %mul3A_278 = arith.mulf %get3A_275, %mul3A_277 : vector<16xf32>
        %swap3A_279 = arith.index_cast %scan3A_271 : i32 to index
        %swap3A_280 = arith.constant 0 : index
        %swap3A_281 = tpu.vector_load %arg10[%swap3A_279, %swap3A_280] {strides = array<i32>} : memref<128x64xf32, #tpu.memory_space<vmem>>, vector<1x16xf32>,
        %swap3A_282 = vector.shape_cast %swap3A_281 : vector<1x16xf32> to vector<16xf32>
        %swap3A_283 = vector.shape_cast %mul3A_278 : vector<16xf32> to vector<1x16xf32>
        tpu.vector_store %arg10[%swap3A_279, %swap3A_280], %swap3A_283 {strides = array<i32>} : memref<128x64xf32, #tpu.memory_space<vmem>>, vector<1x16xf32>,
        %get3A_284 = arith.index_cast %scan3A_271 : i32 to index
        %get3A_285 = arith.constant 16 : index
        %get3A_286 = tpu.vector_load %arg6[%get3A_284, %get3A_285] {strides = array<i32>} : memref<128x128xf32, #tpu.memory_space<vmem>>, vector<1x16xf32>,
        %get3A_287 = vector.shape_cast %get3A_286 : vector<1x16xf32> to vector<16xf32>
        %mul3A_288 = arith.constant 8.000000e+00 : f32
        %mul3A_289 = vector.broadcast %mul3A_288 : f32 to vector<16xf32>
        %mul3A_290 = arith.mulf %get3A_287, %mul3A_289 : vector<16xf32>
        %swap3A_291 = arith.index_cast %scan3A_271 : i32 to index
        %swap3A_292 = arith.constant 16 : index
        %swap3A_293 = tpu.vector_load %arg10[%swap3A_291, %swap3A_292] {strides = array<i32>} : memref<128x64xf32, #tpu.memory_space<vmem>>, vector<1x16xf32>,
        %swap3A_294 = vector.shape_cast %swap3A_293 : vector<1x16xf32> to vector<16xf32>
        %swap3A_295 = vector.shape_cast %mul3A_290 : vector<16xf32> to vector<1x16xf32>
        tpu.vector_store %arg10[%swap3A_291, %swap3A_292], %swap3A_295 {strides = array<i32>} : memref<128x64xf32, #tpu.memory_space<vmem>>, vector<1x16xf32>,
        %get3A_296 = arith.index_cast %scan3A_271 : i32 to index
        %get3A_297 = arith.constant 32 : index
        %get3A_298 = tpu.vector_load %arg6[%get3A_296, %get3A_297] {strides = array<i32>} : memref<128x128xf32, #tpu.memory_space<vmem>>, vector<1x16xf32>,
        %get3A_299 = vector.shape_cast %get3A_298 : vector<1x16xf32> to vector<16xf32>
        %mul3A_300 = arith.constant 8.000000e+00 : f32
        %mul3A_301 = vector.broadcast %mul3A_300 : f32 to vector<16xf32>
        %mul3A_302 = arith.mulf %get3A_299, %mul3A_301 : vector<16xf32>
        %swap3A_303 = arith.index_cast %scan3A_271 : i32 to index
        %swap3A_304 = arith.constant 32 : index
        %swap3A_305 = tpu.vector_load %arg10[%swap3A_303, %swap3A_304] {strides = array<i32>} : memref<128x64xf32, #tpu.memory_space<vmem>>, vector<1x16xf32>,
        %swap3A_306 = vector.shape_cast %swap3A_305 : vector<1x16xf32> to vector<16xf32>
        %swap3A_307 = vector.shape_cast %mul3A_302 : vector<16xf32> to vector<1x16xf32>
        tpu.vector_store %arg10[%swap3A_303, %swap3A_304], %swap3A_307 {strides = array<i32>} : memref<128x64xf32, #tpu.memory_space<vmem>>, vector<1x16xf32>,
        %get3A_308 = arith.index_cast %scan3A_271 : i32 to index
        %get3A_309 = arith.constant 48 : index
        %get3A_310 = tpu.vector_load %arg6[%get3A_308, %get3A_309] {strides = array<i32>} : memref<128x128xf32, #tpu.memory_space<vmem>>, vector<1x16xf32>,
        %get3A_311 = vector.shape_cast %get3A_310 : vector<1x16xf32> to vector<16xf32>
        %mul3A_312 = arith.constant 8.000000e+00 : f32
        %mul3A_313 = vector.broadcast %mul3A_312 : f32 to vector<16xf32>
        %mul3A_314 = arith.mulf %get3A_311, %mul3A_313 : vector<16xf32>
        %swap3A_315 = arith.index_cast %scan3A_271 : i32 to index
        %swap3A_316 = arith.constant 48 : index
        %swap3A_317 = tpu.vector_load %arg10[%swap3A_315, %swap3A_316] {strides = array<i32>} : memref<128x64xf32, #tpu.memory_space<vmem>>, vector<1x16xf32>,
        %swap3A_318 = vector.shape_cast %swap3A_317 : vector<1x16xf32> to vector<16xf32>
        %swap3A_319 = vector.shape_cast %mul3A_314 : vector<16xf32> to vector<1x16xf32>
        tpu.vector_store %arg10[%swap3A_315, %swap3A_316], %swap3A_319 {strides = array<i32>} : memref<128x64xf32, #tpu.memory_space<vmem>>, vector<1x16xf32>,
        %scan3A_320 = arith.constant 3 : i32
        %scan3A_321 = arith.addi %scan3A_173, %scan3A_320 : i32
        %get3A_322 = arith.index_cast %scan3A_321 : i32 to index
        %get3A_323 = arith.constant 0 : index
        %get3A_324 = tpu.vector_load %arg6[%get3A_322, %get3A_323] {strides = array<i32>} : memref<128x128xf32, #tpu.memory_space<vmem>>, vector<1x16xf32>,
        %get3A_325 = vector.shape_cast %get3A_324 : vector<1x16xf32> to vector<16xf32>
        %mul3A_326 = arith.constant 8.000000e+00 : f32
        %mul3A_327 = vector.broadcast %mul3A_326 : f32 to vector<16xf32>
        %mul3A_328 = arith.mulf %get3A_325, %mul3A_327 : vector<16xf32>
        %swap3A_329 = arith.index_cast %scan3A_321 : i32 to index
        %swap3A_330 = arith.constant 0 : index
        %swap3A_331 = tpu.vector_load %arg10[%swap3A_329, %swap3A_330] {strides = array<i32>} : memref<128x64xf32, #tpu.memory_space<vmem>>, vector<1x16xf32>,
        %swap3A_332 = vector.shape_cast %swap3A_331 : vector<1x16xf32> to vector<16xf32>
        %swap3A_333 = vector.shape_cast %mul3A_328 : vector<16xf32> to vector<1x16xf32>
        tpu.vector_store %arg10[%swap3A_329, %swap3A_330], %swap3A_333 {strides = array<i32>} : memref<128x64xf32, #tpu.memory_space<vmem>>, vector<1x16xf32>,
        %get3A_334 = arith.index_cast %scan3A_321 : i32 to index
        %get3A_335 = arith.constant 16 : index
        %get3A_336 = tpu.vector_load %arg6[%get3A_334, %get3A_335] {strides = array<i32>} : memref<128x128xf32, #tpu.memory_space<vmem>>, vector<1x16xf32>,
        %get3A_337 = vector.shape_cast %get3A_336 : vector<1x16xf32> to vector<16xf32>
        %mul3A_338 = arith.constant 8.000000e+00 : f32
        %mul3A_339 = vector.broadcast %mul3A_338 : f32 to vector<16xf32>
        %mul3A_340 = arith.mulf %get3A_337, %mul3A_339 : vector<16xf32>
        %swap3A_341 = arith.index_cast %scan3A_321 : i32 to index
        %swap3A_342 = arith.constant 16 : index
        %swap3A_343 = tpu.vector_load %arg10[%swap3A_341, %swap3A_342] {strides = array<i32>} : memref<128x64xf32, #tpu.memory_space<vmem>>, vector<1x16xf32>,
        %swap3A_344 = vector.shape_cast %swap3A_343 : vector<1x16xf32> to vector<16xf32>
        %swap3A_345 = vector.shape_cast %mul3A_340 : vector<16xf32> to vector<1x16xf32>
        tpu.vector_store %arg10[%swap3A_341, %swap3A_342], %swap3A_345 {strides = array<i32>} : memref<128x64xf32, #tpu.memory_space<vmem>>, vector<1x16xf32>,
        %get3A_346 = arith.index_cast %scan3A_321 : i32 to index
        %get3A_347 = arith.constant 32 : index
        %get3A_348 = tpu.vector_load %arg6[%get3A_346, %get3A_347] {strides = array<i32>} : memref<128x128xf32, #tpu.memory_space<vmem>>, vector<1x16xf32>,
        %get3A_349 = vector.shape_cast %get3A_348 : vector<1x16xf32> to vector<16xf32>
        %mul3A_350 = arith.constant 8.000000e+00 : f32
        %mul3A_351 = vector.broadcast %mul3A_350 : f32 to vector<16xf32>
        %mul3A_352 = arith.mulf %get3A_349, %mul3A_351 : vector<16xf32>
        %swap3A_353 = arith.index_cast %scan3A_321 : i32 to index
        %swap3A_354 = arith.constant 32 : index
        %swap3A_355 = tpu.vector_load %arg10[%swap3A_353, %swap3A_354] {strides = array<i32>} : memref<128x64xf32, #tpu.memory_space<vmem>>, vector<1x16xf32>,
        %swap3A_356 = vector.shape_cast %swap3A_355 : vector<1x16xf32> to vector<16xf32>
        %swap3A_357 = vector.shape_cast %mul3A_352 : vector<16xf32> to vector<1x16xf32>
        tpu.vector_store %arg10[%swap3A_353, %swap3A_354], %swap3A_357 {strides = array<i32>} : memref<128x64xf32, #tpu.memory_space<vmem>>, vector<1x16xf32>,
        %get3A_358 = arith.index_cast %scan3A_321 : i32 to index
        %get3A_359 = arith.constant 48 : index
        %get3A_360 = tpu.vector_load %arg6[%get3A_358, %get3A_359] {strides = array<i32>} : memref<128x128xf32, #tpu.memory_space<vmem>>, vector<1x16xf32>,
        %get3A_361 = vector.shape_cast %get3A_360 : vector<1x16xf32> to vector<16xf32>
        %mul3A_362 = arith.constant 8.000000e+00 : f32
        %mul3A_363 = vector.broadcast %mul3A_362 : f32 to vector<16xf32>
        %mul3A_364 = arith.mulf %get3A_361, %mul3A_363 : vector<16xf32>
        %swap3A_365 = arith.index_cast %scan3A_321 : i32 to index
        %swap3A_366 = arith.constant 48 : index
        %swap3A_367 = tpu.vector_load %arg10[%swap3A_365, %swap3A_366] {strides = array<i32>} : memref<128x64xf32, #tpu.memory_space<vmem>>, vector<1x16xf32>,
        %swap3A_368 = vector.shape_cast %swap3A_367 : vector<1x16xf32> to vector<16xf32>
        %swap3A_369 = vector.shape_cast %mul3A_364 : vector<16xf32> to vector<1x16xf32>
        tpu.vector_store %arg10[%swap3A_365, %swap3A_366], %swap3A_369 {strides = array<i32>} : memref<128x64xf32, #tpu.memory_space<vmem>>, vector<1x16xf32>,
      }
      %scan3A_57 = arith.constant 128 : i32
      %mul3A_58 = arith.constant 128 : i32
      %mul3A_59 = arith.muli %add3A_37, %mul3A_58 : i32
      %add3A_60 = arith.addi %mul3A_2, %mul3A_59 : i32
      %dma_start3A_61 = arith.constant 0 : i32
      %dma_start3A_62 = tpu.memref_slice %arg4[%add3A_60, %dma_start3A_61] : memref<819200x64xf32, #tpu.memory_space<hbm>> -> memref<128x64xf32, #tpu.memory_space<hbm>>
      %dma_start3A_63 = arith.constant 0 : i32
      %dma_start3A_64 = tpu.memref_slice %arg4[%add3A_60, %dma_start3A_63] : memref<819200x64xf32, #tpu.memory_space<hbm>> -> memref<128x64xf32, #tpu.memory_space<hbm>>
      tpu.enqueue_dma source(%arg10 : memref<128x64xf32, #tpu.memory_space<vmem>>) target(%dma_start3A_64 : memref<128x64xf32, #tpu.memory_space<hbm>>) target_semaphore(%arg16 : memref<!tpu.dma_semaphore, #tpu.memory_space<semaphore_mem>>)
      %mul3A_65 = arith.constant 4 : i32
      %mul3A_66 = arith.muli %mul3A_65, %scan3A_33 : i32
      %add3A_67 = arith.constant 1 : i32
      %add3A_68 = arith.addi %mul3A_66, %add3A_67 : i32
      %dma_wait3A_69 = arith.constant 0 : i32
      %dma_wait3A_70 = tpu.memref_slice %arg5[%dma_wait3A_69] : memref<25600xi32, #tpu.memory_space<vmem>> -> memref<128xi32, #tpu.memory_space<vmem>>
      %dma_wait3A_71 = arith.constant 0 : i32
      %dma_wait3A_72 = arith.constant 0 : i32
      %dma_wait3A_73 = tpu.memref_slice %arg3[%dma_wait3A_71, %dma_wait3A_72] : memref<1000000x128xf32, #tpu.memory_space<hbm>> -> memref<1000000x128xf32, #tpu.memory_space<hbm>>
      tpu.wait_indirect_dma semaphore(%arg13 : memref<!tpu.dma_semaphore, #tpu.memory_space<semaphore_mem>>) src(%dma_wait3A_73 : memref<1000000x128xf32, #tpu.memory_space<hbm>>) dst(%arg7 : memref<128x128xf32, #tpu.memory_space<vmem>>)
      %add3A_74 = arith.constant 4 : i32
      %add3A_75 = arith.addi %add3A_68, %add3A_74 : i32
      %sub3A_76 = arith.constant 1 : i32
      %sub3A_77 = arith.subi %add3A_75, %sub3A_76 : i32
      %lt3A_78 = arith.constant 200 : i32
      %lt3A_79 = arith.cmpi slt, %sub3A_77, %lt3A_78 : i32
      %convert_element_type3A_80 = arith.extui %lt3A_79 : i1 to i32
      %cond3A_81 = arith.constant 0 : i32
      %cond3A_82 = arith.cmpi ne, %convert_element_type3A_80, %cond3A_81 : i32
      scf.if %cond3A_82 {
        %add3A_173 = arith.constant 4 : i32
        %add3A_174 = arith.addi %add3A_68, %add3A_173 : i32
        %sub3A_175 = arith.constant 1 : i32
        %sub3A_176 = arith.subi %add3A_174, %sub3A_175 : i32
        %mul3A_177 = arith.constant 128 : i32
        %mul3A_178 = arith.muli %sub3A_176, %mul3A_177 : i32
        %dma_start3A_179 = tpu.memref_slice %arg5[%mul3A_178] : memref<25600xi32, #tpu.memory_space<vmem>> -> memref<128xi32, #tpu.memory_space<vmem>>
        %dma_start3A_180 = arith.constant 0 : i32
        %dma_start3A_181 = arith.constant 0 : i32
        %dma_start3A_182 = tpu.memref_slice %arg3[%dma_start3A_180, %dma_start3A_181] : memref<1000000x128xf32, #tpu.memory_space<hbm>> -> memref<1000000x128xf32, #tpu.memory_space<hbm>>
        tpu.enqueue_indirect_dma source(%dma_start3A_182 : memref<1000000x128xf32, #tpu.memory_space<hbm>>) target(%arg6 : memref<128x128xf32, #tpu.memory_space<vmem>>) offsets(%dma_start3A_179 : memref<128xi32, #tpu.memory_space<vmem>>) semaphore(%arg12 : memref<!tpu.dma_semaphore, #tpu.memory_space<semaphore_mem>>)
      } else {
      }
      %ge3A_83 = arith.constant 2 : i32
      %ge3A_84 = arith.cmpi sge, %add3A_68, %ge3A_83 : i32
      %convert_element_type3A_85 = arith.extui %ge3A_84 : i1 to i32
      %cond3A_86 = arith.constant 0 : i32
      %cond3A_87 = arith.cmpi ne, %convert_element_type3A_85, %cond3A_86 : i32
      scf.if %cond3A_87 {
        %dma_wait3A_173 = arith.constant 0 : i32
        %dma_wait3A_174 = arith.constant 0 : i32
        %dma_wait3A_175 = tpu.memref_slice %arg4[%dma_wait3A_173, %dma_wait3A_174] : memref<819200x64xf32, #tpu.memory_space<hbm>> -> memref<128x64xf32, #tpu.memory_space<hbm>>
        %dma_wait3A_176 = arith.constant 0 : i32
        %dma_wait3A_177 = arith.constant 0 : i32
        %dma_wait3A_178 = tpu.memref_slice %arg4[%dma_wait3A_176, %dma_wait3A_177] : memref<819200x64xf32, #tpu.memory_space<hbm>> -> memref<128x64xf32, #tpu.memory_space<hbm>>
        tpu.wait_dma2 semaphore(%arg17 : memref<!tpu.dma_semaphore, #tpu.memory_space<semaphore_mem>>) src(%arg11 : memref<128x64xf32, #tpu.memory_space<vmem>>) dst(%dma_wait3A_178 : memref<128x64xf32, #tpu.memory_space<hbm>>)
      } else {
      }
      %scan3A_88 = arith.constant 0 : i32
      %scan3A_89 = arith.constant 0 : i32
      %scan3A_90 = arith.constant 128 : i32
      %scan3A_91 = arith.addi %scan3A_89, %scan3A_90 : i32
      %scan3A_92 = arith.constant 4 : i32
      scf.for %scan3A_173 = %scan3A_89 to %scan3A_91 step %scan3A_92  : i32 {
        %get3A = arith.index_cast %scan3A_173 : i32 to index
        %get3A_174 = arith.constant 0 : index
        %get3A_175 = tpu.vector_load %arg7[%get3A, %get3A_174] {strides = array<i32>} : memref<128x128xf32, #tpu.memory_space<vmem>>, vector<1x16xf32>,
        %get3A_176 = vector.shape_cast %get3A_175 : vector<1x16xf32> to vector<16xf32>
        %mul3A_177 = arith.constant 8.000000e+00 : f32
        %mul3A_178 = vector.broadcast %mul3A_177 : f32 to vector<16xf32>
        %mul3A_179 = arith.mulf %get3A_176, %mul3A_178 : vector<16xf32>
        %swap3A = arith.index_cast %scan3A_173 : i32 to index
        %swap3A_180 = arith.constant 0 : index
        %swap3A_181 = tpu.vector_load %arg11[%swap3A, %swap3A_180] {strides = array<i32>} : memref<128x64xf32, #tpu.memory_space<vmem>>, vector<1x16xf32>,
        %swap3A_182 = vector.shape_cast %swap3A_181 : vector<1x16xf32> to vector<16xf32>
        %swap3A_183 = vector.shape_cast %mul3A_179 : vector<16xf32> to vector<1x16xf32>
        tpu.vector_store %arg11[%swap3A, %swap3A_180], %swap3A_183 {strides = array<i32>} : memref<128x64xf32, #tpu.memory_space<vmem>>, vector<1x16xf32>,
        %get3A_184 = arith.index_cast %scan3A_173 : i32 to index
        %get3A_185 = arith.constant 16 : index
        %get3A_186 = tpu.vector_load %arg7[%get3A_184, %get3A_185] {strides = array<i32>} : memref<128x128xf32, #tpu.memory_space<vmem>>, vector<1x16xf32>,
        %get3A_187 = vector.shape_cast %get3A_186 : vector<1x16xf32> to vector<16xf32>
        %mul3A_188 = arith.constant 8.000000e+00 : f32
        %mul3A_189 = vector.broadcast %mul3A_188 : f32 to vector<16xf32>
        %mul3A_190 = arith.mulf %get3A_187, %mul3A_189 : vector<16xf32>
        %swap3A_191 = arith.index_cast %scan3A_173 : i32 to index
        %swap3A_192 = arith.constant 16 : index
        %swap3A_193 = tpu.vector_load %arg11[%swap3A_191, %swap3A_192] {strides = array<i32>} : memref<128x64xf32, #tpu.memory_space<vmem>>, vector<1x16xf32>,
        %swap3A_194 = vector.shape_cast %swap3A_193 : vector<1x16xf32> to vector<16xf32>
        %swap3A_195 = vector.shape_cast %mul3A_190 : vector<16xf32> to vector<1x16xf32>
        tpu.vector_store %arg11[%swap3A_191, %swap3A_192], %swap3A_195 {strides = array<i32>} : memref<128x64xf32, #tpu.memory_space<vmem>>, vector<1x16xf32>,
        %get3A_196 = arith.index_cast %scan3A_173 : i32 to index
        %get3A_197 = arith.constant 32 : index
        %get3A_198 = tpu.vector_load %arg7[%get3A_196, %get3A_197] {strides = array<i32>} : memref<128x128xf32, #tpu.memory_space<vmem>>, vector<1x16xf32>,
        %get3A_199 = vector.shape_cast %get3A_198 : vector<1x16xf32> to vector<16xf32>
        %mul3A_200 = arith.constant 8.000000e+00 : f32
        %mul3A_201 = vector.broadcast %mul3A_200 : f32 to vector<16xf32>
        %mul3A_202 = arith.mulf %get3A_199, %mul3A_201 : vector<16xf32>
        %swap3A_203 = arith.index_cast %scan3A_173 : i32 to index
        %swap3A_204 = arith.constant 32 : index
        %swap3A_205 = tpu.vector_load %arg11[%swap3A_203, %swap3A_204] {strides = array<i32>} : memref<128x64xf32, #tpu.memory_space<vmem>>, vector<1x16xf32>,
        %swap3A_206 = vector.shape_cast %swap3A_205 : vector<1x16xf32> to vector<16xf32>
        %swap3A_207 = vector.shape_cast %mul3A_202 : vector<16xf32> to vector<1x16xf32>
        tpu.vector_store %arg11[%swap3A_203, %swap3A_204], %swap3A_207 {strides = array<i32>} : memref<128x64xf32, #tpu.memory_space<vmem>>, vector<1x16xf32>,
        %get3A_208 = arith.index_cast %scan3A_173 : i32 to index
        %get3A_209 = arith.constant 48 : index
        %get3A_210 = tpu.vector_load %arg7[%get3A_208, %get3A_209] {strides = array<i32>} : memref<128x128xf32, #tpu.memory_space<vmem>>, vector<1x16xf32>,
        %get3A_211 = vector.shape_cast %get3A_210 : vector<1x16xf32> to vector<16xf32>
        %mul3A_212 = arith.constant 8.000000e+00 : f32
        %mul3A_213 = vector.broadcast %mul3A_212 : f32 to vector<16xf32>
        %mul3A_214 = arith.mulf %get3A_211, %mul3A_213 : vector<16xf32>
        %swap3A_215 = arith.index_cast %scan3A_173 : i32 to index
        %swap3A_216 = arith.constant 48 : index
        %swap3A_217 = tpu.vector_load %arg11[%swap3A_215, %swap3A_216] {strides = array<i32>} : memref<128x64xf32, #tpu.memory_space<vmem>>, vector<1x16xf32>,
        %swap3A_218 = vector.shape_cast %swap3A_217 : vector<1x16xf32> to vector<16xf32>
        %swap3A_219 = vector.shape_cast %mul3A_214 : vector<16xf32> to vector<1x16xf32>
        tpu.vector_store %arg11[%swap3A_215, %swap3A_216], %swap3A_219 {strides = array<i32>} : memref<128x64xf32, #tpu.memory_space<vmem>>, vector<1x16xf32>,
        %scan3A_220 = arith.constant 1 : i32
        %scan3A_221 = arith.addi %scan3A_173, %scan3A_220 : i32
        %get3A_222 = arith.index_cast %scan3A_221 : i32 to index
        %get3A_223 = arith.constant 0 : index
        %get3A_224 = tpu.vector_load %arg7[%get3A_222, %get3A_223] {strides = array<i32>} : memref<128x128xf32, #tpu.memory_space<vmem>>, vector<1x16xf32>,
        %get3A_225 = vector.shape_cast %get3A_224 : vector<1x16xf32> to vector<16xf32>
        %mul3A_226 = arith.constant 8.000000e+00 : f32
        %mul3A_227 = vector.broadcast %mul3A_226 : f32 to vector<16xf32>
        %mul3A_228 = arith.mulf %get3A_225, %mul3A_227 : vector<16xf32>
        %swap3A_229 = arith.index_cast %scan3A_221 : i32 to index
        %swap3A_230 = arith.constant 0 : index
        %swap3A_231 = tpu.vector_load %arg11[%swap3A_229, %swap3A_230] {strides = array<i32>} : memref<128x64xf32, #tpu.memory_space<vmem>>, vector<1x16xf32>,
        %swap3A_232 = vector.shape_cast %swap3A_231 : vector<1x16xf32> to vector<16xf32>
        %swap3A_233 = vector.shape_cast %mul3A_228 : vector<16xf32> to vector<1x16xf32>
        tpu.vector_store %arg11[%swap3A_229, %swap3A_230], %swap3A_233 {strides = array<i32>} : memref<128x64xf32, #tpu.memory_space<vmem>>, vector<1x16xf32>,
        %get3A_234 = arith.index_cast %scan3A_221 : i32 to index
        %get3A_235 = arith.constant 16 : index
        %get3A_236 = tpu.vector_load %arg7[%get3A_234, %get3A_235] {strides = array<i32>} : memref<128x128xf32, #tpu.memory_space<vmem>>, vector<1x16xf32>,
        %get3A_237 = vector.shape_cast %get3A_236 : vector<1x16xf32> to vector<16xf32>
        %mul3A_238 = arith.constant 8.000000e+00 : f32
        %mul3A_239 = vector.broadcast %mul3A_238 : f32 to vector<16xf32>
        %mul3A_240 = arith.mulf %get3A_237, %mul3A_239 : vector<16xf32>
        %swap3A_241 = arith.index_cast %scan3A_221 : i32 to index
        %swap3A_242 = arith.constant 16 : index
        %swap3A_243 = tpu.vector_load %arg11[%swap3A_241, %swap3A_242] {strides = array<i32>} : memref<128x64xf32, #tpu.memory_space<vmem>>, vector<1x16xf32>,
        %swap3A_244 = vector.shape_cast %swap3A_243 : vector<1x16xf32> to vector<16xf32>
        %swap3A_245 = vector.shape_cast %mul3A_240 : vector<16xf32> to vector<1x16xf32>
        tpu.vector_store %arg11[%swap3A_241, %swap3A_242], %swap3A_245 {strides = array<i32>} : memref<128x64xf32, #tpu.memory_space<vmem>>, vector<1x16xf32>,
        %get3A_246 = arith.index_cast %scan3A_221 : i32 to index
        %get3A_247 = arith.constant 32 : index
        %get3A_248 = tpu.vector_load %arg7[%get3A_246, %get3A_247] {strides = array<i32>} : memref<128x128xf32, #tpu.memory_space<vmem>>, vector<1x16xf32>,
        %get3A_249 = vector.shape_cast %get3A_248 : vector<1x16xf32> to vector<16xf32>
        %mul3A_250 = arith.constant 8.000000e+00 : f32
        %mul3A_251 = vector.broadcast %mul3A_250 : f32 to vector<16xf32>
        %mul3A_252 = arith.mulf %get3A_249, %mul3A_251 : vector<16xf32>
        %swap3A_253 = arith.index_cast %scan3A_221 : i32 to index
        %swap3A_254 = arith.constant 32 : index
        %swap3A_255 = tpu.vector_load %arg11[%swap3A_253, %swap3A_254] {strides = array<i32>} : memref<128x64xf32, #tpu.memory_space<vmem>>, vector<1x16xf32>,
        %swap3A_256 = vector.shape_cast %swap3A_255 : vector<1x16xf32> to vector<16xf32>
        %swap3A_257 = vector.shape_cast %mul3A_252 : vector<16xf32> to vector<1x16xf32>
        tpu.vector_store %arg11[%swap3A_253, %swap3A_254], %swap3A_257 {strides = array<i32>} : memref<128x64xf32, #tpu.memory_space<vmem>>, vector<1x16xf32>,
        %get3A_258 = arith.index_cast %scan3A_221 : i32 to index
        %get3A_259 = arith.constant 48 : index
        %get3A_260 = tpu.vector_load %arg7[%get3A_258, %get3A_259] {strides = array<i32>} : memref<128x128xf32, #tpu.memory_space<vmem>>, vector<1x16xf32>,
        %get3A_261 = vector.shape_cast %get3A_260 : vector<1x16xf32> to vector<16xf32>
        %mul3A_262 = arith.constant 8.000000e+00 : f32
        %mul3A_263 = vector.broadcast %mul3A_262 : f32 to vector<16xf32>
        %mul3A_264 = arith.mulf %get3A_261, %mul3A_263 : vector<16xf32>
        %swap3A_265 = arith.index_cast %scan3A_221 : i32 to index
        %swap3A_266 = arith.constant 48 : index
        %swap3A_267 = tpu.vector_load %arg11[%swap3A_265, %swap3A_266] {strides = array<i32>} : memref<128x64xf32, #tpu.memory_space<vmem>>, vector<1x16xf32>,
        %swap3A_268 = vector.shape_cast %swap3A_267 : vector<1x16xf32> to vector<16xf32>
        %swap3A_269 = vector.shape_cast %mul3A_264 : vector<16xf32> to vector<1x16xf32>
        tpu.vector_store %arg11[%swap3A_265, %swap3A_266], %swap3A_269 {strides = array<i32>} : memref<128x64xf32, #tpu.memory_space<vmem>>, vector<1x16xf32>,
        %scan3A_270 = arith.constant 2 : i32
        %scan3A_271 = arith.addi %scan3A_173, %scan3A_270 : i32
        %get3A_272 = arith.index_cast %scan3A_271 : i32 to index
        %get3A_273 = arith.constant 0 : index
        %get3A_274 = tpu.vector_load %arg7[%get3A_272, %get3A_273] {strides = array<i32>} : memref<128x128xf32, #tpu.memory_space<vmem>>, vector<1x16xf32>,
        %get3A_275 = vector.shape_cast %get3A_274 : vector<1x16xf32> to vector<16xf32>
        %mul3A_276 = arith.constant 8.000000e+00 : f32
        %mul3A_277 = vector.broadcast %mul3A_276 : f32 to vector<16xf32>
        %mul3A_278 = arith.mulf %get3A_275, %mul3A_277 : vector<16xf32>
        %swap3A_279 = arith.index_cast %scan3A_271 : i32 to index
        %swap3A_280 = arith.constant 0 : index
        %swap3A_281 = tpu.vector_load %arg11[%swap3A_279, %swap3A_280] {strides = array<i32>} : memref<128x64xf32, #tpu.memory_space<vmem>>, vector<1x16xf32>,
        %swap3A_282 = vector.shape_cast %swap3A_281 : vector<1x16xf32> to vector<16xf32>
        %swap3A_283 = vector.shape_cast %mul3A_278 : vector<16xf32> to vector<1x16xf32>
        tpu.vector_store %arg11[%swap3A_279, %swap3A_280], %swap3A_283 {strides = array<i32>} : memref<128x64xf32, #tpu.memory_space<vmem>>, vector<1x16xf32>,
        %get3A_284 = arith.index_cast %scan3A_271 : i32 to index
        %get3A_285 = arith.constant 16 : index
        %get3A_286 = tpu.vector_load %arg7[%get3A_284, %get3A_285] {strides = array<i32>} : memref<128x128xf32, #tpu.memory_space<vmem>>, vector<1x16xf32>,
        %get3A_287 = vector.shape_cast %get3A_286 : vector<1x16xf32> to vector<16xf32>
        %mul3A_288 = arith.constant 8.000000e+00 : f32
        %mul3A_289 = vector.broadcast %mul3A_288 : f32 to vector<16xf32>
        %mul3A_290 = arith.mulf %get3A_287, %mul3A_289 : vector<16xf32>
        %swap3A_291 = arith.index_cast %scan3A_271 : i32 to index
        %swap3A_292 = arith.constant 16 : index
        %swap3A_293 = tpu.vector_load %arg11[%swap3A_291, %swap3A_292] {strides = array<i32>} : memref<128x64xf32, #tpu.memory_space<vmem>>, vector<1x16xf32>,
        %swap3A_294 = vector.shape_cast %swap3A_293 : vector<1x16xf32> to vector<16xf32>
        %swap3A_295 = vector.shape_cast %mul3A_290 : vector<16xf32> to vector<1x16xf32>
        tpu.vector_store %arg11[%swap3A_291, %swap3A_292], %swap3A_295 {strides = array<i32>} : memref<128x64xf32, #tpu.memory_space<vmem>>, vector<1x16xf32>,
        %get3A_296 = arith.index_cast %scan3A_271 : i32 to index
        %get3A_297 = arith.constant 32 : index
        %get3A_298 = tpu.vector_load %arg7[%get3A_296, %get3A_297] {strides = array<i32>} : memref<128x128xf32, #tpu.memory_space<vmem>>, vector<1x16xf32>,
        %get3A_299 = vector.shape_cast %get3A_298 : vector<1x16xf32> to vector<16xf32>
        %mul3A_300 = arith.constant 8.000000e+00 : f32
        %mul3A_301 = vector.broadcast %mul3A_300 : f32 to vector<16xf32>
        %mul3A_302 = arith.mulf %get3A_299, %mul3A_301 : vector<16xf32>
        %swap3A_303 = arith.index_cast %scan3A_271 : i32 to index
        %swap3A_304 = arith.constant 32 : index
        %swap3A_305 = tpu.vector_load %arg11[%swap3A_303, %swap3A_304] {strides = array<i32>} : memref<128x64xf32, #tpu.memory_space<vmem>>, vector<1x16xf32>,
        %swap3A_306 = vector.shape_cast %swap3A_305 : vector<1x16xf32> to vector<16xf32>
        %swap3A_307 = vector.shape_cast %mul3A_302 : vector<16xf32> to vector<1x16xf32>
        tpu.vector_store %arg11[%swap3A_303, %swap3A_304], %swap3A_307 {strides = array<i32>} : memref<128x64xf32, #tpu.memory_space<vmem>>, vector<1x16xf32>,
        %get3A_308 = arith.index_cast %scan3A_271 : i32 to index
        %get3A_309 = arith.constant 48 : index
        %get3A_310 = tpu.vector_load %arg7[%get3A_308, %get3A_309] {strides = array<i32>} : memref<128x128xf32, #tpu.memory_space<vmem>>, vector<1x16xf32>,
        %get3A_311 = vector.shape_cast %get3A_310 : vector<1x16xf32> to vector<16xf32>
        %mul3A_312 = arith.constant 8.000000e+00 : f32
        %mul3A_313 = vector.broadcast %mul3A_312 : f32 to vector<16xf32>
        %mul3A_314 = arith.mulf %get3A_311, %mul3A_313 : vector<16xf32>
        %swap3A_315 = arith.index_cast %scan3A_271 : i32 to index
        %swap3A_316 = arith.constant 48 : index
        %swap3A_317 = tpu.vector_load %arg11[%swap3A_315, %swap3A_316] {strides = array<i32>} : memref<128x64xf32, #tpu.memory_space<vmem>>, vector<1x16xf32>,
        %swap3A_318 = vector.shape_cast %swap3A_317 : vector<1x16xf32> to vector<16xf32>
        %swap3A_319 = vector.shape_cast %mul3A_314 : vector<16xf32> to vector<1x16xf32>
        tpu.vector_store %arg11[%swap3A_315, %swap3A_316], %swap3A_319 {strides = array<i32>} : memref<128x64xf32, #tpu.memory_space<vmem>>, vector<1x16xf32>,
        %scan3A_320 = arith.constant 3 : i32
        %scan3A_321 = arith.addi %scan3A_173, %scan3A_320 : i32
        %get3A_322 = arith.index_cast %scan3A_321 : i32 to index
        %get3A_323 = arith.constant 0 : index
        %get3A_324 = tpu.vector_load %arg7[%get3A_322, %get3A_323] {strides = array<i32>} : memref<128x128xf32, #tpu.memory_space<vmem>>, vector<1x16xf32>,
        %get3A_325 = vector.shape_cast %get3A_324 : vector<1x16xf32> to vector<16xf32>
        %mul3A_326 = arith.constant 8.000000e+00 : f32
        %mul3A_327 = vector.broadcast %mul3A_326 : f32 to vector<16xf32>
        %mul3A_328 = arith.mulf %get3A_325, %mul3A_327 : vector<16xf32>
        %swap3A_329 = arith.index_cast %scan3A_321 : i32 to index
        %swap3A_330 = arith.constant 0 : index
        %swap3A_331 = tpu.vector_load %arg11[%swap3A_329, %swap3A_330] {strides = array<i32>} : memref<128x64xf32, #tpu.memory_space<vmem>>, vector<1x16xf32>,
        %swap3A_332 = vector.shape_cast %swap3A_331 : vector<1x16xf32> to vector<16xf32>
        %swap3A_333 = vector.shape_cast %mul3A_328 : vector<16xf32> to vector<1x16xf32>
        tpu.vector_store %arg11[%swap3A_329, %swap3A_330], %swap3A_333 {strides = array<i32>} : memref<128x64xf32, #tpu.memory_space<vmem>>, vector<1x16xf32>,
        %get3A_334 = arith.index_cast %scan3A_321 : i32 to index
        %get3A_335 = arith.constant 16 : index
        %get3A_336 = tpu.vector_load %arg7[%get3A_334, %get3A_335] {strides = array<i32>} : memref<128x128xf32, #tpu.memory_space<vmem>>, vector<1x16xf32>,
        %get3A_337 = vector.shape_cast %get3A_336 : vector<1x16xf32> to vector<16xf32>
        %mul3A_338 = arith.constant 8.000000e+00 : f32
        %mul3A_339 = vector.broadcast %mul3A_338 : f32 to vector<16xf32>
        %mul3A_340 = arith.mulf %get3A_337, %mul3A_339 : vector<16xf32>
        %swap3A_341 = arith.index_cast %scan3A_321 : i32 to index
        %swap3A_342 = arith.constant 16 : index
        %swap3A_343 = tpu.vector_load %arg11[%swap3A_341, %swap3A_342] {strides = array<i32>} : memref<128x64xf32, #tpu.memory_space<vmem>>, vector<1x16xf32>,
        %swap3A_344 = vector.shape_cast %swap3A_343 : vector<1x16xf32> to vector<16xf32>
        %swap3A_345 = vector.shape_cast %mul3A_340 : vector<16xf32> to vector<1x16xf32>
        tpu.vector_store %arg11[%swap3A_341, %swap3A_342], %swap3A_345 {strides = array<i32>} : memref<128x64xf32, #tpu.memory_space<vmem>>, vector<1x16xf32>,
        %get3A_346 = arith.index_cast %scan3A_321 : i32 to index
        %get3A_347 = arith.constant 32 : index
        %get3A_348 = tpu.vector_load %arg7[%get3A_346, %get3A_347] {strides = array<i32>} : memref<128x128xf32, #tpu.memory_space<vmem>>, vector<1x16xf32>,
        %get3A_349 = vector.shape_cast %get3A_348 : vector<1x16xf32> to vector<16xf32>
        %mul3A_350 = arith.constant 8.000000e+00 : f32
        %mul3A_351 = vector.broadcast %mul3A_350 : f32 to vector<16xf32>
        %mul3A_352 = arith.mulf %get3A_349, %mul3A_351 : vector<16xf32>
        %swap3A_353 = arith.index_cast %scan3A_321 : i32 to index
        %swap3A_354 = arith.constant 32 : index
        %swap3A_355 = tpu.vector_load %arg11[%swap3A_353, %swap3A_354] {strides = array<i32>} : memref<128x64xf32, #tpu.memory_space<vmem>>, vector<1x16xf32>,
        %swap3A_356 = vector.shape_cast %swap3A_355 : vector<1x16xf32> to vector<16xf32>
        %swap3A_357 = vector.shape_cast %mul3A_352 : vector<16xf32> to vector<1x16xf32>
        tpu.vector_store %arg11[%swap3A_353, %swap3A_354], %swap3A_357 {strides = array<i32>} : memref<128x64xf32, #tpu.memory_space<vmem>>, vector<1x16xf32>,
        %get3A_358 = arith.index_cast %scan3A_321 : i32 to index
        %get3A_359 = arith.constant 48 : index
        %get3A_360 = tpu.vector_load %arg7[%get3A_358, %get3A_359] {strides = array<i32>} : memref<128x128xf32, #tpu.memory_space<vmem>>, vector<1x16xf32>,
        %get3A_361 = vector.shape_cast %get3A_360 : vector<1x16xf32> to vector<16xf32>
        %mul3A_362 = arith.constant 8.000000e+00 : f32
        %mul3A_363 = vector.broadcast %mul3A_362 : f32 to vector<16xf32>
        %mul3A_364 = arith.mulf %get3A_361, %mul3A_363 : vector<16xf32>
        %swap3A_365 = arith.index_cast %scan3A_321 : i32 to index
        %swap3A_366 = arith.constant 48 : index
        %swap3A_367 = tpu.vector_load %arg11[%swap3A_365, %swap3A_366] {strides = array<i32>} : memref<128x64xf32, #tpu.memory_space<vmem>>, vector<1x16xf32>,
        %swap3A_368 = vector.shape_cast %swap3A_367 : vector<1x16xf32> to vector<16xf32>
        %swap3A_369 = vector.shape_cast %mul3A_364 : vector<16xf32> to vector<1x16xf32>
        tpu.vector_store %arg11[%swap3A_365, %swap3A_366], %swap3A_369 {strides = array<i32>} : memref<128x64xf32, #tpu.memory_space<vmem>>, vector<1x16xf32>,
      }
      %scan3A_93 = arith.constant 128 : i32
      %mul3A_94 = arith.constant 128 : i32
      %mul3A_95 = arith.muli %add3A_68, %mul3A_94 : i32
      %add3A_96 = arith.addi %mul3A_2, %mul3A_95 : i32
      %dma_start3A_97 = arith.constant 0 : i32
      %dma_start3A_98 = tpu.memref_slice %arg4[%add3A_96, %dma_start3A_97] : memref<819200x64xf32, #tpu.memory_space<hbm>> -> memref<128x64xf32, #tpu.memory_space<hbm>>
      %dma_start3A_99 = arith.constant 0 : i32
      %dma_start3A_100 = tpu.memref_slice %arg4[%add3A_96, %dma_start3A_99] : memref<819200x64xf32, #tpu.memory_space<hbm>> -> memref<128x64xf32, #tpu.memory_space<hbm>>
      tpu.enqueue_dma source(%arg11 : memref<128x64xf32, #tpu.memory_space<vmem>>) target(%dma_start3A_100 : memref<128x64xf32, #tpu.memory_space<hbm>>) target_semaphore(%arg17 : memref<!tpu.dma_semaphore, #tpu.memory_space<semaphore_mem>>)
      %mul3A_101 = arith.constant 4 : i32
      %mul3A_102 = arith.muli %mul3A_101, %scan3A_33 : i32
      %add3A_103 = arith.constant 2 : i32
      %add3A_104 = arith.addi %mul3A_102, %add3A_103 : i32
      %dma_wait3A_105 = arith.constant 0 : i32
      %dma_wait3A_106 = tpu.memref_slice %arg5[%dma_wait3A_105] : memref<25600xi32, #tpu.memory_space<vmem>> -> memref<128xi32, #tpu.memory_space<vmem>>
      %dma_wait3A_107 = arith.constant 0 : i32
      %dma_wait3A_108 = arith.constant 0 : i32
      %dma_wait3A_109 = tpu.memref_slice %arg3[%dma_wait3A_107, %dma_wait3A_108] : memref<1000000x128xf32, #tpu.memory_space<hbm>> -> memref<1000000x128xf32, #tpu.memory_space<hbm>>
      tpu.wait_indirect_dma semaphore(%arg14 : memref<!tpu.dma_semaphore, #tpu.memory_space<semaphore_mem>>) src(%dma_wait3A_109 : memref<1000000x128xf32, #tpu.memory_space<hbm>>) dst(%arg8 : memref<128x128xf32, #tpu.memory_space<vmem>>)
      %add3A_110 = arith.constant 4 : i32
      %add3A_111 = arith.addi %add3A_104, %add3A_110 : i32
      %sub3A_112 = arith.constant 1 : i32
      %sub3A_113 = arith.subi %add3A_111, %sub3A_112 : i32
      %lt3A_114 = arith.constant 200 : i32
      %lt3A_115 = arith.cmpi slt, %sub3A_113, %lt3A_114 : i32
      %convert_element_type3A_116 = arith.extui %lt3A_115 : i1 to i32
      %cond3A_117 = arith.constant 0 : i32
      %cond3A_118 = arith.cmpi ne, %convert_element_type3A_116, %cond3A_117 : i32
      scf.if %cond3A_118 {
        %add3A_173 = arith.constant 4 : i32
        %add3A_174 = arith.addi %add3A_104, %add3A_173 : i32
        %sub3A_175 = arith.constant 1 : i32
        %sub3A_176 = arith.subi %add3A_174, %sub3A_175 : i32
        %mul3A_177 = arith.constant 128 : i32
        %mul3A_178 = arith.muli %sub3A_176, %mul3A_177 : i32
        %dma_start3A_179 = tpu.memref_slice %arg5[%mul3A_178] : memref<25600xi32, #tpu.memory_space<vmem>> -> memref<128xi32, #tpu.memory_space<vmem>>
        %dma_start3A_180 = arith.constant 0 : i32
        %dma_start3A_181 = arith.constant 0 : i32
        %dma_start3A_182 = tpu.memref_slice %arg3[%dma_start3A_180, %dma_start3A_181] : memref<1000000x128xf32, #tpu.memory_space<hbm>> -> memref<1000000x128xf32, #tpu.memory_space<hbm>>
        tpu.enqueue_indirect_dma source(%dma_start3A_182 : memref<1000000x128xf32, #tpu.memory_space<hbm>>) target(%arg7 : memref<128x128xf32, #tpu.memory_space<vmem>>) offsets(%dma_start3A_179 : memref<128xi32, #tpu.memory_space<vmem>>) semaphore(%arg13 : memref<!tpu.dma_semaphore, #tpu.memory_space<semaphore_mem>>)
      } else {
      }
      %ge3A_119 = arith.constant 2 : i32
      %ge3A_120 = arith.cmpi sge, %add3A_104, %ge3A_119 : i32
      %convert_element_type3A_121 = arith.extui %ge3A_120 : i1 to i32
      %cond3A_122 = arith.constant 0 : i32
      %cond3A_123 = arith.cmpi ne, %convert_element_type3A_121, %cond3A_122 : i32
      scf.if %cond3A_123 {
        %dma_wait3A_173 = arith.constant 0 : i32
        %dma_wait3A_174 = arith.constant 0 : i32
        %dma_wait3A_175 = tpu.memref_slice %arg4[%dma_wait3A_173, %dma_wait3A_174] : memref<819200x64xf32, #tpu.memory_space<hbm>> -> memref<128x64xf32, #tpu.memory_space<hbm>>
        %dma_wait3A_176 = arith.constant 0 : i32
        %dma_wait3A_177 = arith.constant 0 : i32
        %dma_wait3A_178 = tpu.memref_slice %arg4[%dma_wait3A_176, %dma_wait3A_177] : memref<819200x64xf32, #tpu.memory_space<hbm>> -> memref<128x64xf32, #tpu.memory_space<hbm>>
        tpu.wait_dma2 semaphore(%arg16 : memref<!tpu.dma_semaphore, #tpu.memory_space<semaphore_mem>>) src(%arg10 : memref<128x64xf32, #tpu.memory_space<vmem>>) dst(%dma_wait3A_178 : memref<128x64xf32, #tpu.memory_space<hbm>>)
      } else {
      }
      %scan3A_124 = arith.constant 0 : i32
      %scan3A_125 = arith.constant 0 : i32
      %scan3A_126 = arith.constant 128 : i32
      %scan3A_127 = arith.addi %scan3A_125, %scan3A_126 : i32
      %scan3A_128 = arith.constant 4 : i32
      scf.for %scan3A_173 = %scan3A_125 to %scan3A_127 step %scan3A_128  : i32 {
        %get3A = arith.index_cast %scan3A_173 : i32 to index
        %get3A_174 = arith.constant 0 : index
        %get3A_175 = tpu.vector_load %arg8[%get3A, %get3A_174] {strides = array<i32>} : memref<128x128xf32, #tpu.memory_space<vmem>>, vector<1x16xf32>,
        %get3A_176 = vector.shape_cast %get3A_175 : vector<1x16xf32> to vector<16xf32>
        %mul3A_177 = arith.constant 8.000000e+00 : f32
        %mul3A_178 = vector.broadcast %mul3A_177 : f32 to vector<16xf32>
        %mul3A_179 = arith.mulf %get3A_176, %mul3A_178 : vector<16xf32>
        %swap3A = arith.index_cast %scan3A_173 : i32 to index
        %swap3A_180 = arith.constant 0 : index
        %swap3A_181 = tpu.vector_load %arg10[%swap3A, %swap3A_180] {strides = array<i32>} : memref<128x64xf32, #tpu.memory_space<vmem>>, vector<1x16xf32>,
        %swap3A_182 = vector.shape_cast %swap3A_181 : vector<1x16xf32> to vector<16xf32>
        %swap3A_183 = vector.shape_cast %mul3A_179 : vector<16xf32> to vector<1x16xf32>
        tpu.vector_store %arg10[%swap3A, %swap3A_180], %swap3A_183 {strides = array<i32>} : memref<128x64xf32, #tpu.memory_space<vmem>>, vector<1x16xf32>,
        %get3A_184 = arith.index_cast %scan3A_173 : i32 to index
        %get3A_185 = arith.constant 16 : index
        %get3A_186 = tpu.vector_load %arg8[%get3A_184, %get3A_185] {strides = array<i32>} : memref<128x128xf32, #tpu.memory_space<vmem>>, vector<1x16xf32>,
        %get3A_187 = vector.shape_cast %get3A_186 : vector<1x16xf32> to vector<16xf32>
        %mul3A_188 = arith.constant 8.000000e+00 : f32
        %mul3A_189 = vector.broadcast %mul3A_188 : f32 to vector<16xf32>
        %mul3A_190 = arith.mulf %get3A_187, %mul3A_189 : vector<16xf32>
        %swap3A_191 = arith.index_cast %scan3A_173 : i32 to index
        %swap3A_192 = arith.constant 16 : index
        %swap3A_193 = tpu.vector_load %arg10[%swap3A_191, %swap3A_192] {strides = array<i32>} : memref<128x64xf32, #tpu.memory_space<vmem>>, vector<1x16xf32>,
        %swap3A_194 = vector.shape_cast %swap3A_193 : vector<1x16xf32> to vector<16xf32>
        %swap3A_195 = vector.shape_cast %mul3A_190 : vector<16xf32> to vector<1x16xf32>
        tpu.vector_store %arg10[%swap3A_191, %swap3A_192], %swap3A_195 {strides = array<i32>} : memref<128x64xf32, #tpu.memory_space<vmem>>, vector<1x16xf32>,
        %get3A_196 = arith.index_cast %scan3A_173 : i32 to index
        %get3A_197 = arith.constant 32 : index
        %get3A_198 = tpu.vector_load %arg8[%get3A_196, %get3A_197] {strides = array<i32>} : memref<128x128xf32, #tpu.memory_space<vmem>>, vector<1x16xf32>,
        %get3A_199 = vector.shape_cast %get3A_198 : vector<1x16xf32> to vector<16xf32>
        %mul3A_200 = arith.constant 8.000000e+00 : f32
        %mul3A_201 = vector.broadcast %mul3A_200 : f32 to vector<16xf32>
        %mul3A_202 = arith.mulf %get3A_199, %mul3A_201 : vector<16xf32>
        %swap3A_203 = arith.index_cast %scan3A_173 : i32 to index
        %swap3A_204 = arith.constant 32 : index
        %swap3A_205 = tpu.vector_load %arg10[%swap3A_203, %swap3A_204] {strides = array<i32>} : memref<128x64xf32, #tpu.memory_space<vmem>>, vector<1x16xf32>,
        %swap3A_206 = vector.shape_cast %swap3A_205 : vector<1x16xf32> to vector<16xf32>
        %swap3A_207 = vector.shape_cast %mul3A_202 : vector<16xf32> to vector<1x16xf32>
        tpu.vector_store %arg10[%swap3A_203, %swap3A_204], %swap3A_207 {strides = array<i32>} : memref<128x64xf32, #tpu.memory_space<vmem>>, vector<1x16xf32>,
        %get3A_208 = arith.index_cast %scan3A_173 : i32 to index
        %get3A_209 = arith.constant 48 : index
        %get3A_210 = tpu.vector_load %arg8[%get3A_208, %get3A_209] {strides = array<i32>} : memref<128x128xf32, #tpu.memory_space<vmem>>, vector<1x16xf32>,
        %get3A_211 = vector.shape_cast %get3A_210 : vector<1x16xf32> to vector<16xf32>
        %mul3A_212 = arith.constant 8.000000e+00 : f32
        %mul3A_213 = vector.broadcast %mul3A_212 : f32 to vector<16xf32>
        %mul3A_214 = arith.mulf %get3A_211, %mul3A_213 : vector<16xf32>
        %swap3A_215 = arith.index_cast %scan3A_173 : i32 to index
        %swap3A_216 = arith.constant 48 : index
        %swap3A_217 = tpu.vector_load %arg10[%swap3A_215, %swap3A_216] {strides = array<i32>} : memref<128x64xf32, #tpu.memory_space<vmem>>, vector<1x16xf32>,
        %swap3A_218 = vector.shape_cast %swap3A_217 : vector<1x16xf32> to vector<16xf32>
        %swap3A_219 = vector.shape_cast %mul3A_214 : vector<16xf32> to vector<1x16xf32>
        tpu.vector_store %arg10[%swap3A_215, %swap3A_216], %swap3A_219 {strides = array<i32>} : memref<128x64xf32, #tpu.memory_space<vmem>>, vector<1x16xf32>,
        %scan3A_220 = arith.constant 1 : i32
        %scan3A_221 = arith.addi %scan3A_173, %scan3A_220 : i32
        %get3A_222 = arith.index_cast %scan3A_221 : i32 to index
        %get3A_223 = arith.constant 0 : index
        %get3A_224 = tpu.vector_load %arg8[%get3A_222, %get3A_223] {strides = array<i32>} : memref<128x128xf32, #tpu.memory_space<vmem>>, vector<1x16xf32>,
        %get3A_225 = vector.shape_cast %get3A_224 : vector<1x16xf32> to vector<16xf32>
        %mul3A_226 = arith.constant 8.000000e+00 : f32
        %mul3A_227 = vector.broadcast %mul3A_226 : f32 to vector<16xf32>
        %mul3A_228 = arith.mulf %get3A_225, %mul3A_227 : vector<16xf32>
        %swap3A_229 = arith.index_cast %scan3A_221 : i32 to index
        %swap3A_230 = arith.constant 0 : index
        %swap3A_231 = tpu.vector_load %arg10[%swap3A_229, %swap3A_230] {strides = array<i32>} : memref<128x64xf32, #tpu.memory_space<vmem>>, vector<1x16xf32>,
        %swap3A_232 = vector.shape_cast %swap3A_231 : vector<1x16xf32> to vector<16xf32>
        %swap3A_233 = vector.shape_cast %mul3A_228 : vector<16xf32> to vector<1x16xf32>
        tpu.vector_store %arg10[%swap3A_229, %swap3A_230], %swap3A_233 {strides = array<i32>} : memref<128x64xf32, #tpu.memory_space<vmem>>, vector<1x16xf32>,
        %get3A_234 = arith.index_cast %scan3A_221 : i32 to index
        %get3A_235 = arith.constant 16 : index
        %get3A_236 = tpu.vector_load %arg8[%get3A_234, %get3A_235] {strides = array<i32>} : memref<128x128xf32, #tpu.memory_space<vmem>>, vector<1x16xf32>,
        %get3A_237 = vector.shape_cast %get3A_236 : vector<1x16xf32> to vector<16xf32>
        %mul3A_238 = arith.constant 8.000000e+00 : f32
        %mul3A_239 = vector.broadcast %mul3A_238 : f32 to vector<16xf32>
        %mul3A_240 = arith.mulf %get3A_237, %mul3A_239 : vector<16xf32>
        %swap3A_241 = arith.index_cast %scan3A_221 : i32 to index
        %swap3A_242 = arith.constant 16 : index
        %swap3A_243 = tpu.vector_load %arg10[%swap3A_241, %swap3A_242] {strides = array<i32>} : memref<128x64xf32, #tpu.memory_space<vmem>>, vector<1x16xf32>,
        %swap3A_244 = vector.shape_cast %swap3A_243 : vector<1x16xf32> to vector<16xf32>
        %swap3A_245 = vector.shape_cast %mul3A_240 : vector<16xf32> to vector<1x16xf32>
        tpu.vector_store %arg10[%swap3A_241, %swap3A_242], %swap3A_245 {strides = array<i32>} : memref<128x64xf32, #tpu.memory_space<vmem>>, vector<1x16xf32>,
        %get3A_246 = arith.index_cast %scan3A_221 : i32 to index
        %get3A_247 = arith.constant 32 : index
        %get3A_248 = tpu.vector_load %arg8[%get3A_246, %get3A_247] {strides = array<i32>} : memref<128x128xf32, #tpu.memory_space<vmem>>, vector<1x16xf32>,
        %get3A_249 = vector.shape_cast %get3A_248 : vector<1x16xf32> to vector<16xf32>
        %mul3A_250 = arith.constant 8.000000e+00 : f32
        %mul3A_251 = vector.broadcast %mul3A_250 : f32 to vector<16xf32>
        %mul3A_252 = arith.mulf %get3A_249, %mul3A_251 : vector<16xf32>
        %swap3A_253 = arith.index_cast %scan3A_221 : i32 to index
        %swap3A_254 = arith.constant 32 : index
        %swap3A_255 = tpu.vector_load %arg10[%swap3A_253, %swap3A_254] {strides = array<i32>} : memref<128x64xf32, #tpu.memory_space<vmem>>, vector<1x16xf32>,
        %swap3A_256 = vector.shape_cast %swap3A_255 : vector<1x16xf32> to vector<16xf32>
        %swap3A_257 = vector.shape_cast %mul3A_252 : vector<16xf32> to vector<1x16xf32>
        tpu.vector_store %arg10[%swap3A_253, %swap3A_254], %swap3A_257 {strides = array<i32>} : memref<128x64xf32, #tpu.memory_space<vmem>>, vector<1x16xf32>,
        %get3A_258 = arith.index_cast %scan3A_221 : i32 to index
        %get3A_259 = arith.constant 48 : index
        %get3A_260 = tpu.vector_load %arg8[%get3A_258, %get3A_259] {strides = array<i32>} : memref<128x128xf32, #tpu.memory_space<vmem>>, vector<1x16xf32>,
        %get3A_261 = vector.shape_cast %get3A_260 : vector<1x16xf32> to vector<16xf32>
        %mul3A_262 = arith.constant 8.000000e+00 : f32
        %mul3A_263 = vector.broadcast %mul3A_262 : f32 to vector<16xf32>
        %mul3A_264 = arith.mulf %get3A_261, %mul3A_263 : vector<16xf32>
        %swap3A_265 = arith.index_cast %scan3A_221 : i32 to index
        %swap3A_266 = arith.constant 48 : index
        %swap3A_267 = tpu.vector_load %arg10[%swap3A_265, %swap3A_266] {strides = array<i32>} : memref<128x64xf32, #tpu.memory_space<vmem>>, vector<1x16xf32>,
        %swap3A_268 = vector.shape_cast %swap3A_267 : vector<1x16xf32> to vector<16xf32>
        %swap3A_269 = vector.shape_cast %mul3A_264 : vector<16xf32> to vector<1x16xf32>
        tpu.vector_store %arg10[%swap3A_265, %swap3A_266], %swap3A_269 {strides = array<i32>} : memref<128x64xf32, #tpu.memory_space<vmem>>, vector<1x16xf32>,
        %scan3A_270 = arith.constant 2 : i32
        %scan3A_271 = arith.addi %scan3A_173, %scan3A_270 : i32
        %get3A_272 = arith.index_cast %scan3A_271 : i32 to index
        %get3A_273 = arith.constant 0 : index
        %get3A_274 = tpu.vector_load %arg8[%get3A_272, %get3A_273] {strides = array<i32>} : memref<128x128xf32, #tpu.memory_space<vmem>>, vector<1x16xf32>,
        %get3A_275 = vector.shape_cast %get3A_274 : vector<1x16xf32> to vector<16xf32>
        %mul3A_276 = arith.constant 8.000000e+00 : f32
        %mul3A_277 = vector.broadcast %mul3A_276 : f32 to vector<16xf32>
        %mul3A_278 = arith.mulf %get3A_275, %mul3A_277 : vector<16xf32>
        %swap3A_279 = arith.index_cast %scan3A_271 : i32 to index
        %swap3A_280 = arith.constant 0 : index
        %swap3A_281 = tpu.vector_load %arg10[%swap3A_279, %swap3A_280] {strides = array<i32>} : memref<128x64xf32, #tpu.memory_space<vmem>>, vector<1x16xf32>,
        %swap3A_282 = vector.shape_cast %swap3A_281 : vector<1x16xf32> to vector<16xf32>
        %swap3A_283 = vector.shape_cast %mul3A_278 : vector<16xf32> to vector<1x16xf32>
        tpu.vector_store %arg10[%swap3A_279, %swap3A_280], %swap3A_283 {strides = array<i32>} : memref<128x64xf32, #tpu.memory_space<vmem>>, vector<1x16xf32>,
        %get3A_284 = arith.index_cast %scan3A_271 : i32 to index
        %get3A_285 = arith.constant 16 : index
        %get3A_286 = tpu.vector_load %arg8[%get3A_284, %get3A_285] {strides = array<i32>} : memref<128x128xf32, #tpu.memory_space<vmem>>, vector<1x16xf32>,
        %get3A_287 = vector.shape_cast %get3A_286 : vector<1x16xf32> to vector<16xf32>
        %mul3A_288 = arith.constant 8.000000e+00 : f32
        %mul3A_289 = vector.broadcast %mul3A_288 : f32 to vector<16xf32>
        %mul3A_290 = arith.mulf %get3A_287, %mul3A_289 : vector<16xf32>
        %swap3A_291 = arith.index_cast %scan3A_271 : i32 to index
        %swap3A_292 = arith.constant 16 : index
        %swap3A_293 = tpu.vector_load %arg10[%swap3A_291, %swap3A_292] {strides = array<i32>} : memref<128x64xf32, #tpu.memory_space<vmem>>, vector<1x16xf32>,
        %swap3A_294 = vector.shape_cast %swap3A_293 : vector<1x16xf32> to vector<16xf32>
        %swap3A_295 = vector.shape_cast %mul3A_290 : vector<16xf32> to vector<1x16xf32>
        tpu.vector_store %arg10[%swap3A_291, %swap3A_292], %swap3A_295 {strides = array<i32>} : memref<128x64xf32, #tpu.memory_space<vmem>>, vector<1x16xf32>,
        %get3A_296 = arith.index_cast %scan3A_271 : i32 to index
        %get3A_297 = arith.constant 32 : index
        %get3A_298 = tpu.vector_load %arg8[%get3A_296, %get3A_297] {strides = array<i32>} : memref<128x128xf32, #tpu.memory_space<vmem>>, vector<1x16xf32>,
        %get3A_299 = vector.shape_cast %get3A_298 : vector<1x16xf32> to vector<16xf32>
        %mul3A_300 = arith.constant 8.000000e+00 : f32
        %mul3A_301 = vector.broadcast %mul3A_300 : f32 to vector<16xf32>
        %mul3A_302 = arith.mulf %get3A_299, %mul3A_301 : vector<16xf32>
        %swap3A_303 = arith.index_cast %scan3A_271 : i32 to index
        %swap3A_304 = arith.constant 32 : index
        %swap3A_305 = tpu.vector_load %arg10[%swap3A_303, %swap3A_304] {strides = array<i32>} : memref<128x64xf32, #tpu.memory_space<vmem>>, vector<1x16xf32>,
        %swap3A_306 = vector.shape_cast %swap3A_305 : vector<1x16xf32> to vector<16xf32>
        %swap3A_307 = vector.shape_cast %mul3A_302 : vector<16xf32> to vector<1x16xf32>
        tpu.vector_store %arg10[%swap3A_303, %swap3A_304], %swap3A_307 {strides = array<i32>} : memref<128x64xf32, #tpu.memory_space<vmem>>, vector<1x16xf32>,
        %get3A_308 = arith.index_cast %scan3A_271 : i32 to index
        %get3A_309 = arith.constant 48 : index
        %get3A_310 = tpu.vector_load %arg8[%get3A_308, %get3A_309] {strides = array<i32>} : memref<128x128xf32, #tpu.memory_space<vmem>>, vector<1x16xf32>,
        %get3A_311 = vector.shape_cast %get3A_310 : vector<1x16xf32> to vector<16xf32>
        %mul3A_312 = arith.constant 8.000000e+00 : f32
        %mul3A_313 = vector.broadcast %mul3A_312 : f32 to vector<16xf32>
        %mul3A_314 = arith.mulf %get3A_311, %mul3A_313 : vector<16xf32>
        %swap3A_315 = arith.index_cast %scan3A_271 : i32 to index
        %swap3A_316 = arith.constant 48 : index
        %swap3A_317 = tpu.vector_load %arg10[%swap3A_315, %swap3A_316] {strides = array<i32>} : memref<128x64xf32, #tpu.memory_space<vmem>>, vector<1x16xf32>,
        %swap3A_318 = vector.shape_cast %swap3A_317 : vector<1x16xf32> to vector<16xf32>
        %swap3A_319 = vector.shape_cast %mul3A_314 : vector<16xf32> to vector<1x16xf32>
        tpu.vector_store %arg10[%swap3A_315, %swap3A_316], %swap3A_319 {strides = array<i32>} : memref<128x64xf32, #tpu.memory_space<vmem>>, vector<1x16xf32>,
        %scan3A_320 = arith.constant 3 : i32
        %scan3A_321 = arith.addi %scan3A_173, %scan3A_320 : i32
        %get3A_322 = arith.index_cast %scan3A_321 : i32 to index
        %get3A_323 = arith.constant 0 : index
        %get3A_324 = tpu.vector_load %arg8[%get3A_322, %get3A_323] {strides = array<i32>} : memref<128x128xf32, #tpu.memory_space<vmem>>, vector<1x16xf32>,
        %get3A_325 = vector.shape_cast %get3A_324 : vector<1x16xf32> to vector<16xf32>
        %mul3A_326 = arith.constant 8.000000e+00 : f32
        %mul3A_327 = vector.broadcast %mul3A_326 : f32 to vector<16xf32>
        %mul3A_328 = arith.mulf %get3A_325, %mul3A_327 : vector<16xf32>
        %swap3A_329 = arith.index_cast %scan3A_321 : i32 to index
        %swap3A_330 = arith.constant 0 : index
        %swap3A_331 = tpu.vector_load %arg10[%swap3A_329, %swap3A_330] {strides = array<i32>} : memref<128x64xf32, #tpu.memory_space<vmem>>, vector<1x16xf32>,
        %swap3A_332 = vector.shape_cast %swap3A_331 : vector<1x16xf32> to vector<16xf32>
        %swap3A_333 = vector.shape_cast %mul3A_328 : vector<16xf32> to vector<1x16xf32>
        tpu.vector_store %arg10[%swap3A_329, %swap3A_330], %swap3A_333 {strides = array<i32>} : memref<128x64xf32, #tpu.memory_space<vmem>>, vector<1x16xf32>,
        %get3A_334 = arith.index_cast %scan3A_321 : i32 to index
        %get3A_335 = arith.constant 16 : index
        %get3A_336 = tpu.vector_load %arg8[%get3A_334, %get3A_335] {strides = array<i32>} : memref<128x128xf32, #tpu.memory_space<vmem>>, vector<1x16xf32>,
        %get3A_337 = vector.shape_cast %get3A_336 : vector<1x16xf32> to vector<16xf32>
        %mul3A_338 = arith.constant 8.000000e+00 : f32
        %mul3A_339 = vector.broadcast %mul3A_338 : f32 to vector<16xf32>
        %mul3A_340 = arith.mulf %get3A_337, %mul3A_339 : vector<16xf32>
        %swap3A_341 = arith.index_cast %scan3A_321 : i32 to index
        %swap3A_342 = arith.constant 16 : index
        %swap3A_343 = tpu.vector_load %arg10[%swap3A_341, %swap3A_342] {strides = array<i32>} : memref<128x64xf32, #tpu.memory_space<vmem>>, vector<1x16xf32>,
        %swap3A_344 = vector.shape_cast %swap3A_343 : vector<1x16xf32> to vector<16xf32>
        %swap3A_345 = vector.shape_cast %mul3A_340 : vector<16xf32> to vector<1x16xf32>
        tpu.vector_store %arg10[%swap3A_341, %swap3A_342], %swap3A_345 {strides = array<i32>} : memref<128x64xf32, #tpu.memory_space<vmem>>, vector<1x16xf32>,
        %get3A_346 = arith.index_cast %scan3A_321 : i32 to index
        %get3A_347 = arith.constant 32 : index
        %get3A_348 = tpu.vector_load %arg8[%get3A_346, %get3A_347] {strides = array<i32>} : memref<128x128xf32, #tpu.memory_space<vmem>>, vector<1x16xf32>,
        %get3A_349 = vector.shape_cast %get3A_348 : vector<1x16xf32> to vector<16xf32>
        %mul3A_350 = arith.constant 8.000000e+00 : f32
        %mul3A_351 = vector.broadcast %mul3A_350 : f32 to vector<16xf32>
        %mul3A_352 = arith.mulf %get3A_349, %mul3A_351 : vector<16xf32>
        %swap3A_353 = arith.index_cast %scan3A_321 : i32 to index
        %swap3A_354 = arith.constant 32 : index
        %swap3A_355 = tpu.vector_load %arg10[%swap3A_353, %swap3A_354] {strides = array<i32>} : memref<128x64xf32, #tpu.memory_space<vmem>>, vector<1x16xf32>,
        %swap3A_356 = vector.shape_cast %swap3A_355 : vector<1x16xf32> to vector<16xf32>
        %swap3A_357 = vector.shape_cast %mul3A_352 : vector<16xf32> to vector<1x16xf32>
        tpu.vector_store %arg10[%swap3A_353, %swap3A_354], %swap3A_357 {strides = array<i32>} : memref<128x64xf32, #tpu.memory_space<vmem>>, vector<1x16xf32>,
        %get3A_358 = arith.index_cast %scan3A_321 : i32 to index
        %get3A_359 = arith.constant 48 : index
        %get3A_360 = tpu.vector_load %arg8[%get3A_358, %get3A_359] {strides = array<i32>} : memref<128x128xf32, #tpu.memory_space<vmem>>, vector<1x16xf32>,
        %get3A_361 = vector.shape_cast %get3A_360 : vector<1x16xf32> to vector<16xf32>
        %mul3A_362 = arith.constant 8.000000e+00 : f32
        %mul3A_363 = vector.broadcast %mul3A_362 : f32 to vector<16xf32>
        %mul3A_364 = arith.mulf %get3A_361, %mul3A_363 : vector<16xf32>
        %swap3A_365 = arith.index_cast %scan3A_321 : i32 to index
        %swap3A_366 = arith.constant 48 : index
        %swap3A_367 = tpu.vector_load %arg10[%swap3A_365, %swap3A_366] {strides = array<i32>} : memref<128x64xf32, #tpu.memory_space<vmem>>, vector<1x16xf32>,
        %swap3A_368 = vector.shape_cast %swap3A_367 : vector<1x16xf32> to vector<16xf32>
        %swap3A_369 = vector.shape_cast %mul3A_364 : vector<16xf32> to vector<1x16xf32>
        tpu.vector_store %arg10[%swap3A_365, %swap3A_366], %swap3A_369 {strides = array<i32>} : memref<128x64xf32, #tpu.memory_space<vmem>>, vector<1x16xf32>,
      }
      %scan3A_129 = arith.constant 128 : i32
      %mul3A_130 = arith.constant 128 : i32
      %mul3A_131 = arith.muli %add3A_104, %mul3A_130 : i32
      %add3A_132 = arith.addi %mul3A_2, %mul3A_131 : i32
      %dma_start3A_133 = arith.constant 0 : i32
      %dma_start3A_134 = tpu.memref_slice %arg4[%add3A_132, %dma_start3A_133] : memref<819200x64xf32, #tpu.memory_space<hbm>> -> memref<128x64xf32, #tpu.memory_space<hbm>>
      %dma_start3A_135 = arith.constant 0 : i32
      %dma_start3A_136 = tpu.memref_slice %arg4[%add3A_132, %dma_start3A_135] : memref<819200x64xf32, #tpu.memory_space<hbm>> -> memref<128x64xf32, #tpu.memory_space<hbm>>
      tpu.enqueue_dma source(%arg10 : memref<128x64xf32, #tpu.memory_space<vmem>>) target(%dma_start3A_136 : memref<128x64xf32, #tpu.memory_space<hbm>>) target_semaphore(%arg16 : memref<!tpu.dma_semaphore, #tpu.memory_space<semaphore_mem>>)
      %mul3A_137 = arith.constant 4 : i32
      %mul3A_138 = arith.muli %mul3A_137, %scan3A_33 : i32
      %add3A_139 = arith.constant 3 : i32
      %add3A_140 = arith.addi %mul3A_138, %add3A_139 : i32
      %dma_wait3A_141 = arith.constant 0 : i32
      %dma_wait3A_142 = tpu.memref_slice %arg5[%dma_wait3A_141] : memref<25600xi32, #tpu.memory_space<vmem>> -> memref<128xi32, #tpu.memory_space<vmem>>
      %dma_wait3A_143 = arith.constant 0 : i32
      %dma_wait3A_144 = arith.constant 0 : i32
      %dma_wait3A_145 = tpu.memref_slice %arg3[%dma_wait3A_143, %dma_wait3A_144] : memref<1000000x128xf32, #tpu.memory_space<hbm>> -> memref<1000000x128xf32, #tpu.memory_space<hbm>>
      tpu.wait_indirect_dma semaphore(%arg15 : memref<!tpu.dma_semaphore, #tpu.memory_space<semaphore_mem>>) src(%dma_wait3A_145 : memref<1000000x128xf32, #tpu.memory_space<hbm>>) dst(%arg9 : memref<128x128xf32, #tpu.memory_space<vmem>>)
      %add3A_146 = arith.constant 4 : i32
      %add3A_147 = arith.addi %add3A_140, %add3A_146 : i32
      %sub3A_148 = arith.constant 1 : i32
      %sub3A_149 = arith.subi %add3A_147, %sub3A_148 : i32
      %lt3A_150 = arith.constant 200 : i32
      %lt3A_151 = arith.cmpi slt, %sub3A_149, %lt3A_150 : i32
      %convert_element_type3A_152 = arith.extui %lt3A_151 : i1 to i32
      %cond3A_153 = arith.constant 0 : i32
      %cond3A_154 = arith.cmpi ne, %convert_element_type3A_152, %cond3A_153 : i32
      scf.if %cond3A_154 {
        %add3A_173 = arith.constant 4 : i32
        %add3A_174 = arith.addi %add3A_140, %add3A_173 : i32
        %sub3A_175 = arith.constant 1 : i32
        %sub3A_176 = arith.subi %add3A_174, %sub3A_175 : i32
        %mul3A_177 = arith.constant 128 : i32
        %mul3A_178 = arith.muli %sub3A_176, %mul3A_177 : i32
        %dma_start3A_179 = tpu.memref_slice %arg5[%mul3A_178] : memref<25600xi32, #tpu.memory_space<vmem>> -> memref<128xi32, #tpu.memory_space<vmem>>
        %dma_start3A_180 = arith.constant 0 : i32
        %dma_start3A_181 = arith.constant 0 : i32
        %dma_start3A_182 = tpu.memref_slice %arg3[%dma_start3A_180, %dma_start3A_181] : memref<1000000x128xf32, #tpu.memory_space<hbm>> -> memref<1000000x128xf32, #tpu.memory_space<hbm>>
        tpu.enqueue_indirect_dma source(%dma_start3A_182 : memref<1000000x128xf32, #tpu.memory_space<hbm>>) target(%arg8 : memref<128x128xf32, #tpu.memory_space<vmem>>) offsets(%dma_start3A_179 : memref<128xi32, #tpu.memory_space<vmem>>) semaphore(%arg14 : memref<!tpu.dma_semaphore, #tpu.memory_space<semaphore_mem>>)
      } else {
      }
      %ge3A_155 = arith.constant 2 : i32
      %ge3A_156 = arith.cmpi sge, %add3A_140, %ge3A_155 : i32
      %convert_element_type3A_157 = arith.extui %ge3A_156 : i1 to i32
      %cond3A_158 = arith.constant 0 : i32
      %cond3A_159 = arith.cmpi ne, %convert_element_type3A_157, %cond3A_158 : i32
      scf.if %cond3A_159 {
        %dma_wait3A_173 = arith.constant 0 : i32
        %dma_wait3A_174 = arith.constant 0 : i32
        %dma_wait3A_175 = tpu.memref_slice %arg4[%dma_wait3A_173, %dma_wait3A_174] : memref<819200x64xf32, #tpu.memory_space<hbm>> -> memref<128x64xf32, #tpu.memory_space<hbm>>
        %dma_wait3A_176 = arith.constant 0 : i32
        %dma_wait3A_177 = arith.constant 0 : i32
        %dma_wait3A_178 = tpu.memref_slice %arg4[%dma_wait3A_176, %dma_wait3A_177] : memref<819200x64xf32, #tpu.memory_space<hbm>> -> memref<128x64xf32, #tpu.memory_space<hbm>>
        tpu.wait_dma2 semaphore(%arg17 : memref<!tpu.dma_semaphore, #tpu.memory_space<semaphore_mem>>) src(%arg11 : memref<128x64xf32, #tpu.memory_space<vmem>>) dst(%dma_wait3A_178 : memref<128x64xf32, #tpu.memory_space<hbm>>)
      } else {
      }
      %scan3A_160 = arith.constant 0 : i32
      %scan3A_161 = arith.constant 0 : i32
      %scan3A_162 = arith.constant 128 : i32
      %scan3A_163 = arith.addi %scan3A_161, %scan3A_162 : i32
      %scan3A_164 = arith.constant 4 : i32
      scf.for %scan3A_173 = %scan3A_161 to %scan3A_163 step %scan3A_164  : i32 {
        %get3A = arith.index_cast %scan3A_173 : i32 to index
        %get3A_174 = arith.constant 0 : index
        %get3A_175 = tpu.vector_load %arg9[%get3A, %get3A_174] {strides = array<i32>} : memref<128x128xf32, #tpu.memory_space<vmem>>, vector<1x16xf32>,
        %get3A_176 = vector.shape_cast %get3A_175 : vector<1x16xf32> to vector<16xf32>
        %mul3A_177 = arith.constant 8.000000e+00 : f32
        %mul3A_178 = vector.broadcast %mul3A_177 : f32 to vector<16xf32>
        %mul3A_179 = arith.mulf %get3A_176, %mul3A_178 : vector<16xf32>
        %swap3A = arith.index_cast %scan3A_173 : i32 to index
        %swap3A_180 = arith.constant 0 : index
        %swap3A_181 = tpu.vector_load %arg11[%swap3A, %swap3A_180] {strides = array<i32>} : memref<128x64xf32, #tpu.memory_space<vmem>>, vector<1x16xf32>,
        %swap3A_182 = vector.shape_cast %swap3A_181 : vector<1x16xf32> to vector<16xf32>
        %swap3A_183 = vector.shape_cast %mul3A_179 : vector<16xf32> to vector<1x16xf32>
        tpu.vector_store %arg11[%swap3A, %swap3A_180], %swap3A_183 {strides = array<i32>} : memref<128x64xf32, #tpu.memory_space<vmem>>, vector<1x16xf32>,
        %get3A_184 = arith.index_cast %scan3A_173 : i32 to index
        %get3A_185 = arith.constant 16 : index
        %get3A_186 = tpu.vector_load %arg9[%get3A_184, %get3A_185] {strides = array<i32>} : memref<128x128xf32, #tpu.memory_space<vmem>>, vector<1x16xf32>,
        %get3A_187 = vector.shape_cast %get3A_186 : vector<1x16xf32> to vector<16xf32>
        %mul3A_188 = arith.constant 8.000000e+00 : f32
        %mul3A_189 = vector.broadcast %mul3A_188 : f32 to vector<16xf32>
        %mul3A_190 = arith.mulf %get3A_187, %mul3A_189 : vector<16xf32>
        %swap3A_191 = arith.index_cast %scan3A_173 : i32 to index
        %swap3A_192 = arith.constant 16 : index
        %swap3A_193 = tpu.vector_load %arg11[%swap3A_191, %swap3A_192] {strides = array<i32>} : memref<128x64xf32, #tpu.memory_space<vmem>>, vector<1x16xf32>,
        %swap3A_194 = vector.shape_cast %swap3A_193 : vector<1x16xf32> to vector<16xf32>
        %swap3A_195 = vector.shape_cast %mul3A_190 : vector<16xf32> to vector<1x16xf32>
        tpu.vector_store %arg11[%swap3A_191, %swap3A_192], %swap3A_195 {strides = array<i32>} : memref<128x64xf32, #tpu.memory_space<vmem>>, vector<1x16xf32>,
        %get3A_196 = arith.index_cast %scan3A_173 : i32 to index
        %get3A_197 = arith.constant 32 : index
        %get3A_198 = tpu.vector_load %arg9[%get3A_196, %get3A_197] {strides = array<i32>} : memref<128x128xf32, #tpu.memory_space<vmem>>, vector<1x16xf32>,
        %get3A_199 = vector.shape_cast %get3A_198 : vector<1x16xf32> to vector<16xf32>
        %mul3A_200 = arith.constant 8.000000e+00 : f32
        %mul3A_201 = vector.broadcast %mul3A_200 : f32 to vector<16xf32>
        %mul3A_202 = arith.mulf %get3A_199, %mul3A_201 : vector<16xf32>
        %swap3A_203 = arith.index_cast %scan3A_173 : i32 to index
        %swap3A_204 = arith.constant 32 : index
        %swap3A_205 = tpu.vector_load %arg11[%swap3A_203, %swap3A_204] {strides = array<i32>} : memref<128x64xf32, #tpu.memory_space<vmem>>, vector<1x16xf32>,
        %swap3A_206 = vector.shape_cast %swap3A_205 : vector<1x16xf32> to vector<16xf32>
        %swap3A_207 = vector.shape_cast %mul3A_202 : vector<16xf32> to vector<1x16xf32>
        tpu.vector_store %arg11[%swap3A_203, %swap3A_204], %swap3A_207 {strides = array<i32>} : memref<128x64xf32, #tpu.memory_space<vmem>>, vector<1x16xf32>,
        %get3A_208 = arith.index_cast %scan3A_173 : i32 to index
        %get3A_209 = arith.constant 48 : index
        %get3A_210 = tpu.vector_load %arg9[%get3A_208, %get3A_209] {strides = array<i32>} : memref<128x128xf32, #tpu.memory_space<vmem>>, vector<1x16xf32>,
        %get3A_211 = vector.shape_cast %get3A_210 : vector<1x16xf32> to vector<16xf32>
        %mul3A_212 = arith.constant 8.000000e+00 : f32
        %mul3A_213 = vector.broadcast %mul3A_212 : f32 to vector<16xf32>
        %mul3A_214 = arith.mulf %get3A_211, %mul3A_213 : vector<16xf32>
        %swap3A_215 = arith.index_cast %scan3A_173 : i32 to index
        %swap3A_216 = arith.constant 48 : index
        %swap3A_217 = tpu.vector_load %arg11[%swap3A_215, %swap3A_216] {strides = array<i32>} : memref<128x64xf32, #tpu.memory_space<vmem>>, vector<1x16xf32>,
        %swap3A_218 = vector.shape_cast %swap3A_217 : vector<1x16xf32> to vector<16xf32>
        %swap3A_219 = vector.shape_cast %mul3A_214 : vector<16xf32> to vector<1x16xf32>
        tpu.vector_store %arg11[%swap3A_215, %swap3A_216], %swap3A_219 {strides = array<i32>} : memref<128x64xf32, #tpu.memory_space<vmem>>, vector<1x16xf32>,
        %scan3A_220 = arith.constant 1 : i32
        %scan3A_221 = arith.addi %scan3A_173, %scan3A_220 : i32
        %get3A_222 = arith.index_cast %scan3A_221 : i32 to index
        %get3A_223 = arith.constant 0 : index
        %get3A_224 = tpu.vector_load %arg9[%get3A_222, %get3A_223] {strides = array<i32>} : memref<128x128xf32, #tpu.memory_space<vmem>>, vector<1x16xf32>,
        %get3A_225 = vector.shape_cast %get3A_224 : vector<1x16xf32> to vector<16xf32>
        %mul3A_226 = arith.constant 8.000000e+00 : f32
        %mul3A_227 = vector.broadcast %mul3A_226 : f32 to vector<16xf32>
        %mul3A_228 = arith.mulf %get3A_225, %mul3A_227 : vector<16xf32>
        %swap3A_229 = arith.index_cast %scan3A_221 : i32 to index
        %swap3A_230 = arith.constant 0 : index
        %swap3A_231 = tpu.vector_load %arg11[%swap3A_229, %swap3A_230] {strides = array<i32>} : memref<128x64xf32, #tpu.memory_space<vmem>>, vector<1x16xf32>,
        %swap3A_232 = vector.shape_cast %swap3A_231 : vector<1x16xf32> to vector<16xf32>
        %swap3A_233 = vector.shape_cast %mul3A_228 : vector<16xf32> to vector<1x16xf32>
        tpu.vector_store %arg11[%swap3A_229, %swap3A_230], %swap3A_233 {strides = array<i32>} : memref<128x64xf32, #tpu.memory_space<vmem>>, vector<1x16xf32>,
        %get3A_234 = arith.index_cast %scan3A_221 : i32 to index
        %get3A_235 = arith.constant 16 : index
        %get3A_236 = tpu.vector_load %arg9[%get3A_234, %get3A_235] {strides = array<i32>} : memref<128x128xf32, #tpu.memory_space<vmem>>, vector<1x16xf32>,
        %get3A_237 = vector.shape_cast %get3A_236 : vector<1x16xf32> to vector<16xf32>
        %mul3A_238 = arith.constant 8.000000e+00 : f32
        %mul3A_239 = vector.broadcast %mul3A_238 : f32 to vector<16xf32>
        %mul3A_240 = arith.mulf %get3A_237, %mul3A_239 : vector<16xf32>
        %swap3A_241 = arith.index_cast %scan3A_221 : i32 to index
        %swap3A_242 = arith.constant 16 : index
        %swap3A_243 = tpu.vector_load %arg11[%swap3A_241, %swap3A_242] {strides = array<i32>} : memref<128x64xf32, #tpu.memory_space<vmem>>, vector<1x16xf32>,
        %swap3A_244 = vector.shape_cast %swap3A_243 : vector<1x16xf32> to vector<16xf32>
        %swap3A_245 = vector.shape_cast %mul3A_240 : vector<16xf32> to vector<1x16xf32>
        tpu.vector_store %arg11[%swap3A_241, %swap3A_242], %swap3A_245 {strides = array<i32>} : memref<128x64xf32, #tpu.memory_space<vmem>>, vector<1x16xf32>,
        %get3A_246 = arith.index_cast %scan3A_221 : i32 to index
        %get3A_247 = arith.constant 32 : index
        %get3A_248 = tpu.vector_load %arg9[%get3A_246, %get3A_247] {strides = array<i32>} : memref<128x128xf32, #tpu.memory_space<vmem>>, vector<1x16xf32>,
        %get3A_249 = vector.shape_cast %get3A_248 : vector<1x16xf32> to vector<16xf32>
        %mul3A_250 = arith.constant 8.000000e+00 : f32
        %mul3A_251 = vector.broadcast %mul3A_250 : f32 to vector<16xf32>
        %mul3A_252 = arith.mulf %get3A_249, %mul3A_251 : vector<16xf32>
        %swap3A_253 = arith.index_cast %scan3A_221 : i32 to index
        %swap3A_254 = arith.constant 32 : index
        %swap3A_255 = tpu.vector_load %arg11[%swap3A_253, %swap3A_254] {strides = array<i32>} : memref<128x64xf32, #tpu.memory_space<vmem>>, vector<1x16xf32>,
        %swap3A_256 = vector.shape_cast %swap3A_255 : vector<1x16xf32> to vector<16xf32>
        %swap3A_257 = vector.shape_cast %mul3A_252 : vector<16xf32> to vector<1x16xf32>
        tpu.vector_store %arg11[%swap3A_253, %swap3A_254], %swap3A_257 {strides = array<i32>} : memref<128x64xf32, #tpu.memory_space<vmem>>, vector<1x16xf32>,
        %get3A_258 = arith.index_cast %scan3A_221 : i32 to index
        %get3A_259 = arith.constant 48 : index
        %get3A_260 = tpu.vector_load %arg9[%get3A_258, %get3A_259] {strides = array<i32>} : memref<128x128xf32, #tpu.memory_space<vmem>>, vector<1x16xf32>,
        %get3A_261 = vector.shape_cast %get3A_260 : vector<1x16xf32> to vector<16xf32>
        %mul3A_262 = arith.constant 8.000000e+00 : f32
        %mul3A_263 = vector.broadcast %mul3A_262 : f32 to vector<16xf32>
        %mul3A_264 = arith.mulf %get3A_261, %mul3A_263 : vector<16xf32>
        %swap3A_265 = arith.index_cast %scan3A_221 : i32 to index
        %swap3A_266 = arith.constant 48 : index
        %swap3A_267 = tpu.vector_load %arg11[%swap3A_265, %swap3A_266] {strides = array<i32>} : memref<128x64xf32, #tpu.memory_space<vmem>>, vector<1x16xf32>,
        %swap3A_268 = vector.shape_cast %swap3A_267 : vector<1x16xf32> to vector<16xf32>
        %swap3A_269 = vector.shape_cast %mul3A_264 : vector<16xf32> to vector<1x16xf32>
        tpu.vector_store %arg11[%swap3A_265, %swap3A_266], %swap3A_269 {strides = array<i32>} : memref<128x64xf32, #tpu.memory_space<vmem>>, vector<1x16xf32>,
        %scan3A_270 = arith.constant 2 : i32
        %scan3A_271 = arith.addi %scan3A_173, %scan3A_270 : i32
        %get3A_272 = arith.index_cast %scan3A_271 : i32 to index
        %get3A_273 = arith.constant 0 : index
        %get3A_274 = tpu.vector_load %arg9[%get3A_272, %get3A_273] {strides = array<i32>} : memref<128x128xf32, #tpu.memory_space<vmem>>, vector<1x16xf32>,
        %get3A_275 = vector.shape_cast %get3A_274 : vector<1x16xf32> to vector<16xf32>
        %mul3A_276 = arith.constant 8.000000e+00 : f32
        %mul3A_277 = vector.broadcast %mul3A_276 : f32 to vector<16xf32>
        %mul3A_278 = arith.mulf %get3A_275, %mul3A_277 : vector<16xf32>
        %swap3A_279 = arith.index_cast %scan3A_271 : i32 to index
        %swap3A_280 = arith.constant 0 : index
        %swap3A_281 = tpu.vector_load %arg11[%swap3A_279, %swap3A_280] {strides = array<i32>} : memref<128x64xf32, #tpu.memory_space<vmem>>, vector<1x16xf32>,
        %swap3A_282 = vector.shape_cast %swap3A_281 : vector<1x16xf32> to vector<16xf32>
        %swap3A_283 = vector.shape_cast %mul3A_278 : vector<16xf32> to vector<1x16xf32>
        tpu.vector_store %arg11[%swap3A_279, %swap3A_280], %swap3A_283 {strides = array<i32>} : memref<128x64xf32, #tpu.memory_space<vmem>>, vector<1x16xf32>,
        %get3A_284 = arith.index_cast %scan3A_271 : i32 to index
        %get3A_285 = arith.constant 16 : index
        %get3A_286 = tpu.vector_load %arg9[%get3A_284, %get3A_285] {strides = array<i32>} : memref<128x128xf32, #tpu.memory_space<vmem>>, vector<1x16xf32>,
        %get3A_287 = vector.shape_cast %get3A_286 : vector<1x16xf32> to vector<16xf32>
        %mul3A_288 = arith.constant 8.000000e+00 : f32
        %mul3A_289 = vector.broadcast %mul3A_288 : f32 to vector<16xf32>
        %mul3A_290 = arith.mulf %get3A_287, %mul3A_289 : vector<16xf32>
        %swap3A_291 = arith.index_cast %scan3A_271 : i32 to index
        %swap3A_292 = arith.constant 16 : index
        %swap3A_293 = tpu.vector_load %arg11[%swap3A_291, %swap3A_292] {strides = array<i32>} : memref<128x64xf32, #tpu.memory_space<vmem>>, vector<1x16xf32>,
        %swap3A_294 = vector.shape_cast %swap3A_293 : vector<1x16xf32> to vector<16xf32>
        %swap3A_295 = vector.shape_cast %mul3A_290 : vector<16xf32> to vector<1x16xf32>
        tpu.vector_store %arg11[%swap3A_291, %swap3A_292], %swap3A_295 {strides = array<i32>} : memref<128x64xf32, #tpu.memory_space<vmem>>, vector<1x16xf32>,
        %get3A_296 = arith.index_cast %scan3A_271 : i32 to index
        %get3A_297 = arith.constant 32 : index
        %get3A_298 = tpu.vector_load %arg9[%get3A_296, %get3A_297] {strides = array<i32>} : memref<128x128xf32, #tpu.memory_space<vmem>>, vector<1x16xf32>,
        %get3A_299 = vector.shape_cast %get3A_298 : vector<1x16xf32> to vector<16xf32>
        %mul3A_300 = arith.constant 8.000000e+00 : f32
        %mul3A_301 = vector.broadcast %mul3A_300 : f32 to vector<16xf32>
        %mul3A_302 = arith.mulf %get3A_299, %mul3A_301 : vector<16xf32>
        %swap3A_303 = arith.index_cast %scan3A_271 : i32 to index
        %swap3A_304 = arith.constant 32 : index
        %swap3A_305 = tpu.vector_load %arg11[%swap3A_303, %swap3A_304] {strides = array<i32>} : memref<128x64xf32, #tpu.memory_space<vmem>>, vector<1x16xf32>,
        %swap3A_306 = vector.shape_cast %swap3A_305 : vector<1x16xf32> to vector<16xf32>
        %swap3A_307 = vector.shape_cast %mul3A_302 : vector<16xf32> to vector<1x16xf32>
        tpu.vector_store %arg11[%swap3A_303, %swap3A_304], %swap3A_307 {strides = array<i32>} : memref<128x64xf32, #tpu.memory_space<vmem>>, vector<1x16xf32>,
        %get3A_308 = arith.index_cast %scan3A_271 : i32 to index
        %get3A_309 = arith.constant 48 : index
        %get3A_310 = tpu.vector_load %arg9[%get3A_308, %get3A_309] {strides = array<i32>} : memref<128x128xf32, #tpu.memory_space<vmem>>, vector<1x16xf32>,
        %get3A_311 = vector.shape_cast %get3A_310 : vector<1x16xf32> to vector<16xf32>
        %mul3A_312 = arith.constant 8.000000e+00 : f32
        %mul3A_313 = vector.broadcast %mul3A_312 : f32 to vector<16xf32>
        %mul3A_314 = arith.mulf %get3A_311, %mul3A_313 : vector<16xf32>
        %swap3A_315 = arith.index_cast %scan3A_271 : i32 to index
        %swap3A_316 = arith.constant 48 : index
        %swap3A_317 = tpu.vector_load %arg11[%swap3A_315, %swap3A_316] {strides = array<i32>} : memref<128x64xf32, #tpu.memory_space<vmem>>, vector<1x16xf32>,
        %swap3A_318 = vector.shape_cast %swap3A_317 : vector<1x16xf32> to vector<16xf32>
        %swap3A_319 = vector.shape_cast %mul3A_314 : vector<16xf32> to vector<1x16xf32>
        tpu.vector_store %arg11[%swap3A_315, %swap3A_316], %swap3A_319 {strides = array<i32>} : memref<128x64xf32, #tpu.memory_space<vmem>>, vector<1x16xf32>,
        %scan3A_320 = arith.constant 3 : i32
        %scan3A_321 = arith.addi %scan3A_173, %scan3A_320 : i32
        %get3A_322 = arith.index_cast %scan3A_321 : i32 to index
        %get3A_323 = arith.constant 0 : index
        %get3A_324 = tpu.vector_load %arg9[%get3A_322, %get3A_323] {strides = array<i32>} : memref<128x128xf32, #tpu.memory_space<vmem>>, vector<1x16xf32>,
        %get3A_325 = vector.shape_cast %get3A_324 : vector<1x16xf32> to vector<16xf32>
        %mul3A_326 = arith.constant 8.000000e+00 : f32
        %mul3A_327 = vector.broadcast %mul3A_326 : f32 to vector<16xf32>
        %mul3A_328 = arith.mulf %get3A_325, %mul3A_327 : vector<16xf32>
        %swap3A_329 = arith.index_cast %scan3A_321 : i32 to index
        %swap3A_330 = arith.constant 0 : index
        %swap3A_331 = tpu.vector_load %arg11[%swap3A_329, %swap3A_330] {strides = array<i32>} : memref<128x64xf32, #tpu.memory_space<vmem>>, vector<1x16xf32>,
        %swap3A_332 = vector.shape_cast %swap3A_331 : vector<1x16xf32> to vector<16xf32>
        %swap3A_333 = vector.shape_cast %mul3A_328 : vector<16xf32> to vector<1x16xf32>
        tpu.vector_store %arg11[%swap3A_329, %swap3A_330], %swap3A_333 {strides = array<i32>} : memref<128x64xf32, #tpu.memory_space<vmem>>, vector<1x16xf32>,
        %get3A_334 = arith.index_cast %scan3A_321 : i32 to index
        %get3A_335 = arith.constant 16 : index
        %get3A_336 = tpu.vector_load %arg9[%get3A_334, %get3A_335] {strides = array<i32>} : memref<128x128xf32, #tpu.memory_space<vmem>>, vector<1x16xf32>,
        %get3A_337 = vector.shape_cast %get3A_336 : vector<1x16xf32> to vector<16xf32>
        %mul3A_338 = arith.constant 8.000000e+00 : f32
        %mul3A_339 = vector.broadcast %mul3A_338 : f32 to vector<16xf32>
        %mul3A_340 = arith.mulf %get3A_337, %mul3A_339 : vector<16xf32>
        %swap3A_341 = arith.index_cast %scan3A_321 : i32 to index
        %swap3A_342 = arith.constant 16 : index
        %swap3A_343 = tpu.vector_load %arg11[%swap3A_341, %swap3A_342] {strides = array<i32>} : memref<128x64xf32, #tpu.memory_space<vmem>>, vector<1x16xf32>,
        %swap3A_344 = vector.shape_cast %swap3A_343 : vector<1x16xf32> to vector<16xf32>
        %swap3A_345 = vector.shape_cast %mul3A_340 : vector<16xf32> to vector<1x16xf32>
        tpu.vector_store %arg11[%swap3A_341, %swap3A_342], %swap3A_345 {strides = array<i32>} : memref<128x64xf32, #tpu.memory_space<vmem>>, vector<1x16xf32>,
        %get3A_346 = arith.index_cast %scan3A_321 : i32 to index
        %get3A_347 = arith.constant 32 : index
        %get3A_348 = tpu.vector_load %arg9[%get3A_346, %get3A_347] {strides = array<i32>} : memref<128x128xf32, #tpu.memory_space<vmem>>, vector<1x16xf32>,
        %get3A_349 = vector.shape_cast %get3A_348 : vector<1x16xf32> to vector<16xf32>
        %mul3A_350 = arith.constant 8.000000e+00 : f32
        %mul3A_351 = vector.broadcast %mul3A_350 : f32 to vector<16xf32>
        %mul3A_352 = arith.mulf %get3A_349, %mul3A_351 : vector<16xf32>
        %swap3A_353 = arith.index_cast %scan3A_321 : i32 to index
        %swap3A_354 = arith.constant 32 : index
        %swap3A_355 = tpu.vector_load %arg11[%swap3A_353, %swap3A_354] {strides = array<i32>} : memref<128x64xf32, #tpu.memory_space<vmem>>, vector<1x16xf32>,
        %swap3A_356 = vector.shape_cast %swap3A_355 : vector<1x16xf32> to vector<16xf32>
        %swap3A_357 = vector.shape_cast %mul3A_352 : vector<16xf32> to vector<1x16xf32>
        tpu.vector_store %arg11[%swap3A_353, %swap3A_354], %swap3A_357 {strides = array<i32>} : memref<128x64xf32, #tpu.memory_space<vmem>>, vector<1x16xf32>,
        %get3A_358 = arith.index_cast %scan3A_321 : i32 to index
        %get3A_359 = arith.constant 48 : index
        %get3A_360 = tpu.vector_load %arg9[%get3A_358, %get3A_359] {strides = array<i32>} : memref<128x128xf32, #tpu.memory_space<vmem>>, vector<1x16xf32>,
        %get3A_361 = vector.shape_cast %get3A_360 : vector<1x16xf32> to vector<16xf32>
        %mul3A_362 = arith.constant 8.000000e+00 : f32
        %mul3A_363 = vector.broadcast %mul3A_362 : f32 to vector<16xf32>
        %mul3A_364 = arith.mulf %get3A_361, %mul3A_363 : vector<16xf32>
        %swap3A_365 = arith.index_cast %scan3A_321 : i32 to index
        %swap3A_366 = arith.constant 48 : index
        %swap3A_367 = tpu.vector_load %arg11[%swap3A_365, %swap3A_366] {strides = array<i32>} : memref<128x64xf32, #tpu.memory_space<vmem>>, vector<1x16xf32>,
        %swap3A_368 = vector.shape_cast %swap3A_367 : vector<1x16xf32> to vector<16xf32>
        %swap3A_369 = vector.shape_cast %mul3A_364 : vector<16xf32> to vector<1x16xf32>
        tpu.vector_store %arg11[%swap3A_365, %swap3A_366], %swap3A_369 {strides = array<i32>} : memref<128x64xf32, #tpu.memory_space<vmem>>, vector<1x16xf32>,
      }
      %scan3A_165 = arith.constant 128 : i32
      %mul3A_166 = arith.constant 128 : i32
      %mul3A_167 = arith.muli %add3A_140, %mul3A_166 : i32
      %add3A_168 = arith.addi %mul3A_2, %mul3A_167 : i32
      %dma_start3A_169 = arith.constant 0 : i32
      %dma_start3A_170 = tpu.memref_slice %arg4[%add3A_168, %dma_start3A_169] : memref<819200x64xf32, #tpu.memory_space<hbm>> -> memref<128x64xf32, #tpu.memory_space<hbm>>
      %dma_start3A_171 = arith.constant 0 : i32
      %dma_start3A_172 = tpu.memref_slice %arg4[%add3A_168, %dma_start3A_171] : memref<819200x64xf32, #tpu.memory_space<hbm>> -> memref<128x64xf32, #tpu.memory_space<hbm>>
      tpu.enqueue_dma source(%arg11 : memref<128x64xf32, #tpu.memory_space<vmem>>) target(%dma_start3A_172 : memref<128x64xf32, #tpu.memory_space<hbm>>) target_semaphore(%arg17 : memref<!tpu.dma_semaphore, #tpu.memory_space<semaphore_mem>>)
    }
    %scan3A_21 = arith.constant 50 : i32
    %dma_wait3A = arith.constant 0 : i32
    %dma_wait3A_22 = arith.constant 0 : i32
    %dma_wait3A_23 = tpu.memref_slice %arg4[%dma_wait3A, %dma_wait3A_22] : memref<819200x64xf32, #tpu.memory_space<hbm>> -> memref<128x64xf32, #tpu.memory_space<hbm>>
    %dma_wait3A_24 = arith.constant 0 : i32
    %dma_wait3A_25 = arith.constant 0 : i32
    %dma_wait3A_26 = tpu.memref_slice %arg4[%dma_wait3A_24, %dma_wait3A_25] : memref<819200x64xf32, #tpu.memory_space<hbm>> -> memref<128x64xf32, #tpu.memory_space<hbm>>
    tpu.wait_dma2 semaphore(%arg16 : memref<!tpu.dma_semaphore, #tpu.memory_space<semaphore_mem>>) src(%arg10 : memref<128x64xf32, #tpu.memory_space<vmem>>) dst(%dma_wait3A_26 : memref<128x64xf32, #tpu.memory_space<hbm>>)
    %dma_wait3A_27 = arith.constant 0 : i32
    %dma_wait3A_28 = arith.constant 0 : i32
    %dma_wait3A_29 = tpu.memref_slice %arg4[%dma_wait3A_27, %dma_wait3A_28] : memref<819200x64xf32, #tpu.memory_space<hbm>> -> memref<128x64xf32, #tpu.memory_space<hbm>>
    %dma_wait3A_30 = arith.constant 0 : i32
    %dma_wait3A_31 = arith.constant 0 : i32
    %dma_wait3A_32 = tpu.memref_slice %arg4[%dma_wait3A_30, %dma_wait3A_31] : memref<819200x64xf32, #tpu.memory_space<hbm>> -> memref<128x64xf32, #tpu.memory_space<hbm>>
    tpu.wait_dma2 semaphore(%arg17 : memref<!tpu.dma_semaphore, #tpu.memory_space<semaphore_mem>>) src(%arg11 : memref<128x64xf32, #tpu.memory_space<vmem>>) dst(%dma_wait3A_32 : memref<128x64xf32, #tpu.memory_space<hbm>>)
    return
  }
}

</mosaic_0001>

<sc_bundles>
// kernel: kernel.3.cloned.1.call-start
scs
__scs_entry_jumppad:
0x0: {  	(pc) =	sbr.rel $0x88, $3  }
0x1: {  	(tag) =	ssettag $0x0;
	lr =	simm.s32 $0x1  }
0x2: {  	[smem:$0x3F9F] =	sst lr;
	_ =	strace $0xD0000000  }
0x3: {  	_ = 	snop  }
0x4: {  	_ = 	snop  }
0x5: {  	_ = 	snop  }
0x6: {  	_ = 	snop  }
0x7: {  	_ = 	snop  }
__scs_overlays_trampoline_lowered:
0x8: {  	[smem:$0x3FAE] =	sst s0  }
0x9: {  	[smem:$0x3FAF] =	sst s1  }
0xa: {  	[smem:$0x3FB0] =	sst s2  }
0xb: {  	[smem:$0x3FB1] =	sst s3  }
0xc: {  	[smem:$0x3FB2] =	sst s4  }
0xd: {  	[smem:$0x3FB3] =	sst s5  }
0xe: {  	[smem:$0x3FB4] =	sst s6  }
0xf: {  	[smem:$0x3FB5] =	sst s7  }
0x10: {  	[smem:$0x3FB6] =	sst s8  }
0x11: {  	[smem:$0x3FB7] =	sst s9;
	s0 =	simm.s32 @!p0 $0x0  }
0x12: {  	s1 =	sld [smem:$0x3F9D];
	s0 =	simm.s32 @p0 $0x1  }
0x13: {  	[smem:$0x3FB8] =	sst s0;
	s0 =	simm.s32 @!p1 $0x0  }
0x14: {  	s2 =	sld [smem:$0x3F9C];
	s0 =	simm.s32 @p1 $0x1  }
0x15: {  	[smem:$0x3FB9] =	sst s0;
	s0 =	simm.s32 @!p2 $0x0  }
0x16: {  	s3 =	sld [smem:$0x3FDB];
	s0 =	simm.s32 @p2 $0x1  }
0x17: {  	s4 =	simm.s32 $0x1BF5;
	[smem:$0x3FBB] =	sst s0  }
0x18: {  	s0 =	sld [smem:$0x3F9E];
	_ =	swait.ge [sflag:s4], $0x0  }
0x19: {  	s7 =	sld [smem:$0x3F9F]  }
0x1a: {  	s8 =	sadd.s32 $0xFFFFE003, lr  }
0x1b: {  	s9 =	sadd.s32 $0xFFFFFEF7, lr;
	s5 =	simm.s32 $0xFFFFFFFF;
	p2 =	slt.u32 s8, $0xFFFFF086  }
0x1c: {  	p1 =	slt.u32 s9, $0xF7A;
	s5 =	simm.s32 @!p2 $0x0  }
0x1d: {  	s5 =	simm.s32 @p1 $0x1;
	p0 =	seq.s32 s7, s2  }
0x1e: {  	s7 =	smul.u32 @!p0 $0xF7A, s2;
	p2 =	seq.s32 @!p0 s5, $0x0  }
0x1f: {  	s9 =	smul.u32 $0xF7A, s1;
	s8 =	simm.s32 @!p0 $0x1BF5;
	p2 =	por !p2, p0  }
0x20: {  	[sflag:s8] =	ssyncset.s32 @!p0 $0xFFFFF086;
	s6 =	sadd.s32 @!p0 s3, s7;
	s7 =	simm.s32 @!p0 $0x108  }
0x21: {  	s3 =	sadd.s32 s3, s9;
	s6 =	sadd.s32 @!p0 $0x88, s6;
	s7 =	simm.s32 @p2 $0x1082  }
0x22: {  	[simem:s7], [sflag:s8] =	dma.local @!p0 [hbm:s6], $0xF7A  }
0x23: {  	s9 =	sor.u32 $0xD0000000, s2;
	s6 =	simm.s32 $0x108;
	_ =	swait.ge @!p0 [sflag:s8], $0x0  }
0x24: {  	s3 =	sadd.s32 $0x88, s3;
	s6 =	simm.s32 @!p1 $0x1082;
	[sflag:s4] =	ssyncset.s32 $0xFFFFF086  }
0x25: {  	[simem:s6], [sflag:s4] =	dma.local [hbm:s3], $0xF7A  }
0x26: {  	[smem:$0x3F9F] =	sst s1;
	(tag) =	ssettag s2;
	_ =	strace s9  }
0x27: {  	s1 =	sld [smem:$0x3FAF]  }
0x28: {  	s2 =	sld [smem:$0x3FB0]  }
0x29: {  	s4 =	sld [smem:$0x3FB2]  }
0x2a: {  	p0 =	seq.s32 s5, $0x0;
	s5 =	sld [smem:$0x3FB3]  }
0x2b: {  	s6 =	sld [smem:$0x3FB4]  }
0x2c: {  	s7 =	sld [smem:$0x3FB5]  }
0x2d: {  	s3 =	simm.s32 $0x108;
	s8 =	sld [smem:$0x3FB6]  }
0x2e: {  	s3 =	simm.s32 @!p0 $0x1082;
	s9 =	sld [smem:$0x3FB7]  }
0x2f: {  	lr =	sadd.s32 s0, s3;
	s0 =	sld [smem:$0x3FAE]  }
0x30: {  	s3 =	sld [smem:$0x3FB1]  }
0x31: {  	[smem:$0x3FBA] =	sst s10  }
0x32: {  	s10 =	sld [smem:$0x3FB8];
	_ =	sdelay $0x3  }
0x33: {  	p0 =	seq.s32 s10, $0x1;
	s10 =	sld [smem:$0x3FBA];
	_ =	sdelay $0x3  }
0x34: {  	[smem:$0x3FBA] =	sst s10  }
0x35: {  	s10 =	sld [smem:$0x3FB9];
	_ =	sdelay $0x3  }
0x36: {  	p1 =	seq.s32 s10, $0x1;
	s10 =	sld [smem:$0x3FBA];
	_ =	sdelay $0x3  }
0x37: {  	[smem:$0x3FBA] =	sst s10  }
0x38: {  	s10 =	sld [smem:$0x3FBB]  }
0x39: {  	_ = 	snop;
	(pc) =	sbr.ind lr, $3  }
0x3a: {  	_ = 	snop  }
0x3b: {  	_ = 	snop  }
0x3c: {  	p2 =	seq.s32 s10, $0x1;
	s10 =	sld [smem:$0x3FBA]  }
0x3d: {  	_ =	shalt  }
0x3e: {  	_ =	shalt  }
0x3f: {  	_ =	shalt  }
0x40: {  	_ =	shalt  }
0x41: {  	_ =	shalt  }
0x42: {  	_ =	shalt  }
0x43: {  	_ =	shalt  }
0x44: {  	_ =	shalt  }
0x45: {  	_ =	shalt  }
0x46: {  	_ =	shalt  }
0x47: {  	_ =	shalt  }
0x48: {  	_ =	shalt  }
0x49: {  	_ =	shalt  }
0x4a: {  	_ =	shalt  }
0x4b: {  	_ =	shalt  }
0x4c: {  	_ =	shalt  }
0x4d: {  	_ =	shalt  }
0x4e: {  	_ =	shalt  }
0x4f: {  	_ =	shalt  }
0x50: {  	_ =	shalt  }
0x51: {  	_ =	shalt  }
0x52: {  	_ =	shalt  }
0x53: {  	_ =	shalt  }
0x54: {  	_ =	shalt  }
0x55: {  	_ =	shalt  }
0x56: {  	_ =	shalt  }
0x57: {  	_ =	shalt  }
0x58: {  	_ =	shalt  }
0x59: {  	_ =	shalt  }
0x5a: {  	_ =	shalt  }
0x5b: {  	_ =	shalt  }
0x5c: {  	_ =	shalt  }
0x5d: {  	_ =	shalt  }
0x5e: {  	_ =	shalt  }
0x5f: {  	_ =	shalt  }
0x60: {  	_ =	shalt  }
0x61: {  	_ =	shalt  }
0x62: {  	_ =	shalt  }
0x63: {  	_ =	shalt  }
0x64: {  	_ =	shalt  }
0x65: {  	_ =	shalt  }
0x66: {  	_ =	shalt  }
0x67: {  	_ =	shalt  }
0x68: {  	_ =	shalt  }
0x69: {  	_ =	shalt  }
0x6a: {  	_ =	shalt  }
0x6b: {  	_ =	shalt  }
0x6c: {  	_ =	shalt  }
0x6d: {  	_ =	shalt  }
0x6e: {  	_ =	shalt  }
0x6f: {  	_ =	shalt  }
0x70: {  	_ =	shalt  }
0x71: {  	_ =	shalt  }
0x72: {  	_ =	shalt  }
0x73: {  	_ =	shalt  }
0x74: {  	_ =	shalt  }
0x75: {  	_ =	shalt  }
0x76: {  	_ =	shalt  }
0x77: {  	_ =	shalt  }
0x78: {  	_ =	shalt  }
0x79: {  	_ =	shalt  }
0x7a: {  	_ =	shalt  }
0x7b: {  	_ =	shalt  }
0x7c: {  	_ =	shalt  }
0x7d: {  	_ =	shalt  }
0x7e: {  	_ =	shalt  }
0x7f: {  	_ =	shalt  }
0x80: {  	_ =	shalt  }
0x81: {  	_ =	shalt  }
0x82: {  	_ =	shalt  }
0x83: {  	_ =	shalt  }
0x84: {  	_ =	shalt  }
0x85: {  	_ =	shalt  }
0x86: {  	_ =	shalt  }
0x87: {  	_ =	shalt  }
.Lfunc_end0:
.L_simem_size_0:
called_computation.1_lowered:
.L_overlay_start_0:
0x88: {  	s2 =	sld [smem:$0x3FD9]  }
0x89: {  	s3 =	sld [smem:$0x3FFE];
	_ =	sdelay $0x1  }
0x8a: {  	s1 =	srdreg.scid  }
0x8b: {  	s0 =	sand.u32 $0x1, s1  }
0x8c: {  	s17 =	sshll.u32 s0, $0xA;
	s2 =	sadd.s32 s3, s2  }
0x8d: {  	s2 =	sadd.s32 s2, s17  }
0x8e: {  	[smem:$0x3FC6] =	sst s2  }
0x8f: {  	_ = 	snop  }
0x90: {  	s2 =	sld [smem:$0x3FD0];
	(tm) =	ssettm $0x1  }
0x91: {  	s18 =	sld [smem:$0x3FFB];
	_ =	sdelay $0x3  }
0x92: {  	_ =	strace s18  }
0x93: {  	s3 =	sld [smem:$0x3FFC];
	_ =	sdelay $0x3  }
0x94: {  	_ =	strace s3  }
0x95: {  	s3 =	sld [smem:$0x3FFD];
	_ =	sdelay $0x3  }
0x96: {  	_ =	strace s3  }
0x97: {  	_ =	strace $0x8FFFFFFF  }
0x98: {  	s19 =	sld [smem:$0x3FDB];
	_ =	sdelay $0x1  }
0x99: {  	s4 =	simm.s32 $_scs_section_size  }
0x9a: {  	s5 =	simm.s32 $_size__tile_overlayer_lowered;
	s6 =	simm.s32 $_tile_overlayer_lowered  }
0x9b: {  	s22 =	simm.s32 $0x1BFF;
	s21 =	sshll.u32 s6, $0x1;
	s3 =	sadd.s32 s4, s19  }
0x9c: {  	s7 =	simm.s32 $0x0;
	s20 =	sshll.u32 s5, $0x1;
	s5 =	sadd.s32 s21, s3  }
0x9d: {  	[timem:s7], [sflag:s22] =	dma.local [hbm:s5], s20  }
0x9e: {  	_ =	swait.ge [sflag:s22], s20  }
0x9f: {  	s4 =	ssub.s32 $0x0, s20;
	[sflag:s22] =	ssyncset.done $0x0  }
0xa0: {  	[sflag:s22] =	ssyncadd.s32 s4;
	_ =	sdelay $0x1  }
0xa1: {  	s23 =	simm.s32 $0x1B8B  }
0xa2: {  	_ =	swait.ge [sflag:s23], $0x1  }
0xa3: {  	[sflag:s23] =	ssyncset.done $0x0  }
0xa4: {  	s25 =	simm.s32 $0x1B8E;
	s24 =	sld [smem:$0x3FFE];
	[sflag:s23] =	ssyncadd.s32 $0xFFFFFFFF  }
0xa5: {  	s26 =	simm.s32 $execute0_lowered;
	[smem:$0x3FD2] =	sst s25  }
0xa6: {  	s5 =	sshll.u32 s26, $0x1;
	_ =	strace $0x80000046;
	[dreg:$0x1] =	wrdreg $0xFFFFFFFF  }
0xa7: {  	s28 =	simm.s32 $_size_execute0_lowered;
	s3 =	sadd.s32 s3, s5;
	[dreg:$0x0] =	wrdreg $0x0  }
0xa8: {  	s5 =	sshll.u32 s28, $0x1;
	[dreg:$0x2] =	wrdreg s3  }
0xa9: {  	[dreg:$0x3] =	wrdreg s5  }
0xaa: {  	[dreg:$0x4] =	wrdreg $0xC0  }
0xab: {  	_ =	task [dreg:s7], $0x5FFFF  }
0xac: {  	[dreg:$0x1] =	wrdreg $0xFFFFFFFF  }
0xad: {  	[dreg:$0x0] =	wrdreg $0x60  }
0xae: {  	[dreg:$0x2] =	wrdreg s2  }
0xaf: {  	[dreg:$0x3] =	wrdreg s24  }
0xb0: {  	[dreg:$0x4] =	wrdreg $0x9  }
0xb1: {  	_ =	task.clear_ibuf [dreg:s7], $0x5FFFF;
	_ =	strace $0x90000046  }
0xb2: {  	s29 =	simm.s32 $0x9;
	_ =	strace $0x80000048  }
0xb3: {  	_ =	swait.ge [sflag:s29], $0x1  }
0xb4: {  	[sflag:s29] =	ssyncadd.s32 $0xFFFFFFFF  }
0xb5: {  	_ =	strace $0x90000048  }
0xb6: {  	_ =	sfence  }
0xb7: {  	s30 =	sld [smem:$0x0];
	_ =	sdelay $0x2  }
0xb8: {  	s31 =	sshll.u32 s1, $0xD;
	s1 =	sshrl.u32 s1, $0x2  }
0xb9: {  	s3 =	sand.u32 $0x4000, s31;
	s1 =	sadd.s32 s1, s30  }
0xba: {  	s0 =	sor.u32 s3, s0;
	s1 =	sshll.u32 s1, $0x11  }
0xbb: {  	s0 =	sor.u32 s1, s0  }
0xbc: {  	s0 =	sadd.s32 $0x8F2B, s0  }
0xbd: {  	[sflag:s0] =	ssyncadd.remote.s32 $0x1  }
0xbe: {  	_ =	sfence.sel $0xFFFF  }
0xbf: {  	[dreg:$0x0] =	wrdreg $0xFFFFFFFF;
	(pc) =	sbr.abs _section_cstart, $3  }
0xc0: {  	[dreg:$0x1] =	wrdreg $0xFFFFFFFF  }
0xc1: {  	_ =	task.clear_ibuf [dreg:s7], $0x2FFFF;
	_ =	strace $0x9FFFFFFF  }
0xc2: {  	(tm) =	ssettm $0x7FFFFFFF  }
0xc3: {  	_ =	shalt  }
tec
execute0_lowered:
.L_overlay_start_1:
0x0: {  	(tag) =	ssettag $0x1  }
0x1: {  	s0 =	rddreg [dreg:$0x0];
	s1 =	srdreg.scid  }
0x2: {  	s2 =	stileid.u32;
	s4 =	rddreg [dreg:$0x1];
	s10 =	simm.s32 $0x7  }
0x3: {  	s11 =	simm.s32 $0x80;
	s12 =	simm.s32 $0x6400;
	s13 =	simm.s32 $0xA400  }
0x4: {  	s14 =	simm.s32 $0x100;
	s15 =	simm.s32 $0xE400;
	s16 =	simm.s32 $0x1  }
0x5: {  	s17 =	simm.s32 $0x12400;
	s18 =	simm.s32 $0x16400;
	s19 =	simm.s32 $0x2  }
0x6: {  	s20 =	simm.s32 $0x1A400;
	s21 =	simm.s32 $0x3;
	s22 =	simm.s32 $0x5  }
0x7: {  	s23 =	simm.s32 $0x4;
	s24 =	simm.s32 $0x6;
	s25 =	simm.s32 $0x0  }
0x8: {  	s1 =	sand.u32 $0x1, s1;
	s3 =	sshll.u32 s2, $0x1;
	s2 =	simm.s32 $0x0  }
0x9: {  	s6 =	sor.u32 s1, s3;
	[smem:$0x7FF] =	sst s2;
	s1 =	ssub.s32 $0x2, s1  }
0xa: {  	s3 =	sadd.s32 $0xF42E00, s4;
	s4 =	sadd.s32 $0xA00, s4;
	s8 =	smul.u32 $0x6400, s6  }
0xb: {  	_ =	strace $0x80000047;
	s5 =	sshrl.u32 s1, $0x1;
	s6 =	smul.u32 $0x320000, s6  }
0xc: {  	s1 =	ssub.s32 s1, s5;
	s31 =	sshrl.u32 s8, $0x3;
	s7 =	sor.u32 $0x80, s8  }
0xd: {  	s8 =	sor.u32 $0x100, s8;
	s9 =	smax.u32 s1, $0x1;
	s5 =	sadd.s32 s0, s31  }
.LBB2_1:
0xe: {  	[tilespmem:s2], [sflag:$0x7] =	stream.linear.gather [hbm4b:s5+s2], $0x6400, $0x38;
	[tilespmem:$0x1E400] =	vst v63  }
0xf: {  	_ =	swait.ge [sflag:s10], $0x6400  }
0x10: {  	[sflag:s10] =	ssyncset.done $0x0  }
0x11: {  	[sflag:s10] =	ssyncadd.s32 $0xFFFF9C00  }
0x12: {  	[tilespmem:s12], [sflag:$0x1] =	stream.indirect.gather [hbm4b:s3+s11], $0x80, s2, s11, $0xb8;
	[tilespmem:$0x1E400] =	vst v63  }
0x13: {  	_ = 	snop  }
0x14: {  	[tilespmem:s13], [sflag:$0x2] =	stream.indirect.gather [hbm4b:s3+s11], $0x80, s11, s11, $0xb8;
	[tilespmem:$0x1E400] =	vst v63  }
0x15: {  	s26 =	simm.s32 $0x0  }
0x16: {  	[tilespmem:s15], [sflag:$0x3] =	stream.indirect.gather [hbm4b:s3+s11], $0x80, s14, s11, $0xb8;
	[tilespmem:$0x1E400] =	vst v63  }
.LBB2_2:
0x17: {  	_ =	swait.ge [sflag:s16], $0x4000;
	s28 =	sshllo.u32 s26, $0x2  }
0x18: {  	[sflag:s16] =	ssyncset.done $0x0;
	s0 =	sshll.u32 s28, $0x7  }
0x19: {  	p0 =	seq.s32 s26, $0x0;
	[sflag:s16] =	ssyncadd.s32 $0xFFFFC000;
	s0 =	sand.u32 $0x3FFFFF80, s0  }
0x1a: {  	[tilespmem:s17], [sflag:$0x4] =	stream.indirect.gather [hbm4b:s3+s11], $0x80, s0, s11, $0xb8;
	[tilespmem:$0x1E400] =	vst v63  }
0x1b: {  	s0 =	simm.s32 @!p0 $0x5  }
0x1c: {  	_ =	swait.ge @!p0 [sflag:s0], $0x4000  }
0x1d: {  	[sflag:s0] =	ssyncset.done @!p0 $0x0  }
0x1e: {  	s31 =	simm.s32 $0x6500;
	[sflag:s0] =	ssyncadd.s32 @!p0 $0xFFFFC000  }
0x1f: {  	v0 =	vld [tilespmem:s31+$0xFFFFFF00];
	_ =	sdelay $0x4  }
0x20: {  	v0 =	vmul.f32 $8.000000000e+00, v0  }
0x21: {  	s29 =	simm.s32 $0x16500  }
0x22: {  	[tilespmem:s29+$0xFFFFFF00] =	vst v0  }
0x23: {  	v0 =	vld [tilespmem:s31+$0xFFFFFF10];
	_ =	sdelay $0x4  }
0x24: {  	v0 =	vmul.f32 $8.000000000e+00, v0;
	_ =	sdelay $0x1  }
0x25: {  	[tilespmem:s29+$0xFFFFFF10] =	vst v0  }
0x26: {  	v0 =	vld [tilespmem:s31+$0xFFFFFF20];
	_ =	sdelay $0x4  }
0x27: {  	v0 =	vmul.f32 $8.000000000e+00, v0;
	_ =	sdelay $0x1  }
0x28: {  	[tilespmem:s29+$0xFFFFFF20] =	vst v0  }
0x29: {  	v0 =	vld [tilespmem:s31+$0xFFFFFF30];
	_ =	sdelay $0x4  }
0x2a: {  	v0 =	vmul.f32 $8.000000000e+00, v0;
	_ =	sdelay $0x1  }
0x2b: {  	[tilespmem:s29+$0xFFFFFF30] =	vst v0  }
0x2c: {  	v0 =	vld [tilespmem:s31+$0xFFFFFF80];
	_ =	sdelay $0x4  }
0x2d: {  	v0 =	vmul.f32 $8.000000000e+00, v0;
	_ =	sdelay $0x1  }
0x2e: {  	[tilespmem:s29+$0xFFFFFF80] =	vst v0  }
0x2f: {  	v0 =	vld [tilespmem:s31+$0xFFFFFF90];
	_ =	sdelay $0x4  }
0x30: {  	v0 =	vmul.f32 $8.000000000e+00, v0;
	_ =	sdelay $0x1  }
0x31: {  	[tilespmem:s29+$0xFFFFFF90] =	vst v0  }
0x32: {  	v0 =	vld [tilespmem:s31+$0xFFFFFFA0];
	_ =	sdelay $0x4  }
0x33: {  	v0 =	vmul.f32 $8.000000000e+00, v0;
	_ =	sdelay $0x1  }
0x34: {  	[tilespmem:s29+$0xFFFFFFA0] =	vst v0  }
0x35: {  	v0 =	vld [tilespmem:s31+$0xFFFFFFB0];
	_ =	sdelay $0x4  }
0x36: {  	v0 =	vmul.f32 $8.000000000e+00, v0;
	_ =	sdelay $0x1  }
0x37: {  	[tilespmem:s29+$0xFFFFFFB0] =	vst v0  }
0x38: {  	v0 =	vld [tilespmem:s31+$0x0];
	_ =	sdelay $0x4  }
0x39: {  	v0 =	vmul.f32 $8.000000000e+00, v0;
	_ =	sdelay $0x1  }
0x3a: {  	[tilespmem:s29+$0x0] =	vst v0  }
0x3b: {  	v0 =	vld [tilespmem:s31+$0x10];
	_ =	sdelay $0x4  }
0x3c: {  	v0 =	vmul.f32 $8.000000000e+00, v0;
	_ =	sdelay $0x1  }
0x3d: {  	[tilespmem:s29+$0x10] =	vst v0  }
0x3e: {  	v0 =	vld [tilespmem:s31+$0x20];
	_ =	sdelay $0x4  }
0x3f: {  	v0 =	vmul.f32 $8.000000000e+00, v0;
	_ =	sdelay $0x1  }
0x40: {  	[tilespmem:s29+$0x20] =	vst v0  }
0x41: {  	v0 =	vld [tilespmem:s31+$0x30];
	_ =	sdelay $0x4  }
0x42: {  	v0 =	vmul.f32 $8.000000000e+00, v0;
	_ =	sdelay $0x1  }
0x43: {  	[tilespmem:s29+$0x30] =	vst v0  }
0x44: {  	v0 =	vld [tilespmem:s31+$0x80];
	_ =	sdelay $0x4  }
0x45: {  	v0 =	vmul.f32 $8.000000000e+00, v0;
	_ =	sdelay $0x1  }
0x46: {  	[tilespmem:s29+$0x80] =	vst v0  }
0x47: {  	v0 =	vld [tilespmem:s31+$0x90];
	_ =	sdelay $0x4  }
0x48: {  	v0 =	vmul.f32 $8.000000000e+00, v0;
	_ =	sdelay $0x1  }
0x49: {  	[tilespmem:s29+$0x90] =	vst v0  }
0x4a: {  	v0 =	vld [tilespmem:s31+$0xA0];
	_ =	sdelay $0x4  }
0x4b: {  	v0 =	vmul.f32 $8.000000000e+00, v0;
	_ =	sdelay $0x1  }
0x4c: {  	[tilespmem:s29+$0xA0] =	vst v0  }
0x4d: {  	v0 =	vld [tilespmem:s31+$0xB0];
	_ =	sdelay $0x4  }
0x4e: {  	v0 =	vmul.f32 $8.000000000e+00, v0;
	_ =	sdelay $0x1  }
0x4f: {  	s30 =	simm.s32 $0x0;
	s1 =	simm.s32 $0x6700;
	[tilespmem:s29+$0xB0] =	vst v0  }
.LBB2_3:
0x50: {  	v0 =	vld [tilespmem:s1+$0xFFFFFF00];
	s30 =	sadd.s32 $0x4, s30  }
0x51: {  	p0 =	slt.u32 s30, $0x7C;
	_ =	sdelay $0x3  }
0x52: {  	v0 =	vmul.f32 $8.000000000e+00, v0  }
0x53: {  	s29 =	sadd.s32 $0x200, s29  }
0x54: {  	[tilespmem:s29+$0xFFFFFF00] =	vst v0  }
0x55: {  	v0 =	vld [tilespmem:s1+$0xFFFFFF10];
	_ =	sdelay $0x4  }
0x56: {  	v0 =	vmul.f32 $8.000000000e+00, v0;
	_ =	sdelay $0x1  }
0x57: {  	[tilespmem:s29+$0xFFFFFF10] =	vst v0  }
0x58: {  	v0 =	vld [tilespmem:s1+$0xFFFFFF20];
	_ =	sdelay $0x4  }
0x59: {  	v0 =	vmul.f32 $8.000000000e+00, v0;
	_ =	sdelay $0x1  }
0x5a: {  	[tilespmem:s29+$0xFFFFFF20] =	vst v0  }
0x5b: {  	v0 =	vld [tilespmem:s1+$0xFFFFFF30];
	_ =	sdelay $0x4  }
0x5c: {  	v0 =	vmul.f32 $8.000000000e+00, v0;
	_ =	sdelay $0x1  }
0x5d: {  	[tilespmem:s29+$0xFFFFFF30] =	vst v0  }
0x5e: {  	v0 =	vld [tilespmem:s1+$0xFFFFFF80];
	_ =	sdelay $0x4  }
0x5f: {  	v0 =	vmul.f32 $8.000000000e+00, v0;
	_ =	sdelay $0x1  }
0x60: {  	[tilespmem:s29+$0xFFFFFF80] =	vst v0  }
0x61: {  	v0 =	vld [tilespmem:s1+$0xFFFFFF90];
	_ =	sdelay $0x4  }
0x62: {  	v0 =	vmul.f32 $8.000000000e+00, v0;
	_ =	sdelay $0x1  }
0x63: {  	[tilespmem:s29+$0xFFFFFF90] =	vst v0  }
0x64: {  	v0 =	vld [tilespmem:s1+$0xFFFFFFA0];
	_ =	sdelay $0x4  }
0x65: {  	v0 =	vmul.f32 $8.000000000e+00, v0;
	_ =	sdelay $0x1  }
0x66: {  	[tilespmem:s29+$0xFFFFFFA0] =	vst v0  }
0x67: {  	v0 =	vld [tilespmem:s1+$0xFFFFFFB0];
	_ =	sdelay $0x4  }
0x68: {  	v0 =	vmul.f32 $8.000000000e+00, v0;
	_ =	sdelay $0x1  }
0x69: {  	[tilespmem:s29+$0xFFFFFFB0] =	vst v0  }
0x6a: {  	v0 =	vld [tilespmem:s1+$0x0];
	_ =	sdelay $0x4  }
0x6b: {  	v0 =	vmul.f32 $8.000000000e+00, v0;
	_ =	sdelay $0x1  }
0x6c: {  	[tilespmem:s29+$0x0] =	vst v0  }
0x6d: {  	v0 =	vld [tilespmem:s1+$0x10];
	_ =	sdelay $0x4  }
0x6e: {  	v0 =	vmul.f32 $8.000000000e+00, v0;
	_ =	sdelay $0x1  }
0x6f: {  	[tilespmem:s29+$0x10] =	vst v0  }
0x70: {  	v0 =	vld [tilespmem:s1+$0x20];
	_ =	sdelay $0x4  }
0x71: {  	v0 =	vmul.f32 $8.000000000e+00, v0;
	_ =	sdelay $0x1  }
0x72: {  	[tilespmem:s29+$0x20] =	vst v0  }
0x73: {  	v0 =	vld [tilespmem:s1+$0x30];
	_ =	sdelay $0x4  }
0x74: {  	v0 =	vmul.f32 $8.000000000e+00, v0;
	_ =	sdelay $0x1  }
0x75: {  	[tilespmem:s29+$0x30] =	vst v0  }
0x76: {  	v0 =	vld [tilespmem:s1+$0x80];
	_ =	sdelay $0x4  }
0x77: {  	v0 =	vmul.f32 $8.000000000e+00, v0;
	_ =	sdelay $0x1  }
0x78: {  	[tilespmem:s29+$0x80] =	vst v0  }
0x79: {  	v0 =	vld [tilespmem:s1+$0x90];
	_ =	sdelay $0x4  }
0x7a: {  	v0 =	vmul.f32 $8.000000000e+00, v0;
	_ =	sdelay $0x1  }
0x7b: {  	[tilespmem:s29+$0x90] =	vst v0  }
0x7c: {  	v0 =	vld [tilespmem:s1+$0xA0];
	_ =	sdelay $0x4  }
0x7d: {  	v0 =	vmul.f32 $8.000000000e+00, v0;
	_ =	sdelay $0x1  }
0x7e: {  	[tilespmem:s29+$0xA0] =	vst v0  }
0x7f: {  	v0 =	vld [tilespmem:s1+$0xB0];
	_ =	sdelay $0x2  }
.Ltmp0:
0x80: {  	(pc) =	sbr.rel @p0 .LBB2_3-.Ltmp0, $3  }
0x81: {  	_ = 	snop  }
0x82: {  	v0 =	vmul.f32 $8.000000000e+00, v0;
	_ =	sdelay $0x1  }
0x83: {  	s1 =	sadd.s32 $0x200, s1;
	[tilespmem:s29+$0xB0] =	vst v0  }
0x84: {  	s0 =	sshll.u32 s26, $0x10  }
0x85: {  	s0 =	sadd.s32 s6, s0  }
0x86: {  	p0 =	seq.s32 s26, $0x31;
	s0 =	sshrl.u32 s0, $0x3  }
0x87: {  	p1 =	seq.s32 @!p0 s26, $0x0;
	s0 =	sadd.s32 s4, s0  }
0x88: {  	[hbm4b:s0+s2] =	stream.linear.scatter [tilespmem:s18], [sflag:$0x5], $0x4000, $0x38;
	[tilespmem:$0x1E400] =	vst v63  }
0x89: {  	s1 =	simm.s32 @!p0 $0x80;
	s0 =	sshll.u32 @!p0 s26, $0x9;
	_ =	swait.ge [sflag:s19], $0x4000  }
0x8a: {  	s30 =	simm.s32 @!p0 $0x6400;
	s29 =	sand.u32 @!p0 $0x3FFFFE00, s0;
	[sflag:s19] =	ssyncset.done $0x0  }
0x8b: {  	p1 =	por p0, !p1;
	s0 =	sadd.s32 @!p0 $0x200, s29;
	[sflag:s19] =	ssyncadd.s32 $0xFFFFC000  }
0x8c: {  	[tilespmem:s30], [sflag:$0x1] =	stream.indirect.gather @!p0 [hbm4b:s3+s1], $0x80, s0, s1, $0xb8;
	[tilespmem:$0x1E400] =	vst v63  }
0x8d: {  	_ =	swait.ge @p1 [sflag:s24], $0x4000  }
0x8e: {  	[sflag:s24] =	ssyncset.done @p1 $0x0  }
0x8f: {  	s1 =	simm.s32 $0xA500;
	[sflag:s24] =	ssyncadd.s32 @p1 $0xFFFFC000  }
0x90: {  	v0 =	vld [tilespmem:s1+$0xFFFFFF00];
	_ =	sdelay $0x4  }
0x91: {  	v0 =	vmul.f32 $8.000000000e+00, v0  }
0x92: {  	s30 =	simm.s32 $0x1A500  }
0x93: {  	[tilespmem:s30+$0xFFFFFF00] =	vst v0  }
0x94: {  	v0 =	vld [tilespmem:s1+$0xFFFFFF10];
	_ =	sdelay $0x4  }
0x95: {  	v0 =	vmul.f32 $8.000000000e+00, v0;
	_ =	sdelay $0x1  }
0x96: {  	[tilespmem:s30+$0xFFFFFF10] =	vst v0  }
0x97: {  	v0 =	vld [tilespmem:s1+$0xFFFFFF20];
	_ =	sdelay $0x4  }
0x98: {  	v0 =	vmul.f32 $8.000000000e+00, v0;
	_ =	sdelay $0x1  }
0x99: {  	[tilespmem:s30+$0xFFFFFF20] =	vst v0  }
0x9a: {  	v0 =	vld [tilespmem:s1+$0xFFFFFF30];
	_ =	sdelay $0x4  }
0x9b: {  	v0 =	vmul.f32 $8.000000000e+00, v0;
	_ =	sdelay $0x1  }
0x9c: {  	[tilespmem:s30+$0xFFFFFF30] =	vst v0  }
0x9d: {  	v0 =	vld [tilespmem:s1+$0xFFFFFF80];
	_ =	sdelay $0x4  }
0x9e: {  	v0 =	vmul.f32 $8.000000000e+00, v0;
	_ =	sdelay $0x1  }
0x9f: {  	[tilespmem:s30+$0xFFFFFF80] =	vst v0  }
0xa0: {  	v0 =	vld [tilespmem:s1+$0xFFFFFF90];
	_ =	sdelay $0x4  }
0xa1: {  	v0 =	vmul.f32 $8.000000000e+00, v0;
	_ =	sdelay $0x1  }
0xa2: {  	[tilespmem:s30+$0xFFFFFF90] =	vst v0  }
0xa3: {  	v0 =	vld [tilespmem:s1+$0xFFFFFFA0];
	_ =	sdelay $0x4  }
0xa4: {  	v0 =	vmul.f32 $8.000000000e+00, v0;
	_ =	sdelay $0x1  }
0xa5: {  	[tilespmem:s30+$0xFFFFFFA0] =	vst v0  }
0xa6: {  	v0 =	vld [tilespmem:s1+$0xFFFFFFB0];
	_ =	sdelay $0x4  }
0xa7: {  	v0 =	vmul.f32 $8.000000000e+00, v0;
	_ =	sdelay $0x1  }
0xa8: {  	[tilespmem:s30+$0xFFFFFFB0] =	vst v0  }
0xa9: {  	v0 =	vld [tilespmem:s1+$0x0];
	_ =	sdelay $0x4  }
0xaa: {  	v0 =	vmul.f32 $8.000000000e+00, v0;
	_ =	sdelay $0x1  }
0xab: {  	[tilespmem:s30+$0x0] =	vst v0  }
0xac: {  	v0 =	vld [tilespmem:s1+$0x10];
	_ =	sdelay $0x4  }
0xad: {  	v0 =	vmul.f32 $8.000000000e+00, v0;
	_ =	sdelay $0x1  }
0xae: {  	[tilespmem:s30+$0x10] =	vst v0  }
0xaf: {  	v0 =	vld [tilespmem:s1+$0x20];
	_ =	sdelay $0x4  }
0xb0: {  	v0 =	vmul.f32 $8.000000000e+00, v0;
	_ =	sdelay $0x1  }
0xb1: {  	[tilespmem:s30+$0x20] =	vst v0  }
0xb2: {  	v0 =	vld [tilespmem:s1+$0x30];
	_ =	sdelay $0x4  }
0xb3: {  	v0 =	vmul.f32 $8.000000000e+00, v0;
	_ =	sdelay $0x1  }
0xb4: {  	[tilespmem:s30+$0x30] =	vst v0  }
0xb5: {  	v0 =	vld [tilespmem:s1+$0x80];
	_ =	sdelay $0x4  }
0xb6: {  	v0 =	vmul.f32 $8.000000000e+00, v0;
	_ =	sdelay $0x1  }
0xb7: {  	[tilespmem:s30+$0x80] =	vst v0  }
0xb8: {  	v0 =	vld [tilespmem:s1+$0x90];
	_ =	sdelay $0x4  }
0xb9: {  	v0 =	vmul.f32 $8.000000000e+00, v0;
	_ =	sdelay $0x1  }
0xba: {  	[tilespmem:s30+$0x90] =	vst v0  }
0xbb: {  	v0 =	vld [tilespmem:s1+$0xA0];
	_ =	sdelay $0x4  }
0xbc: {  	v0 =	vmul.f32 $8.000000000e+00, v0;
	_ =	sdelay $0x1  }
0xbd: {  	[tilespmem:s30+$0xA0] =	vst v0  }
0xbe: {  	v0 =	vld [tilespmem:s1+$0xB0];
	_ =	sdelay $0x4  }
0xbf: {  	v0 =	vmul.f32 $8.000000000e+00, v0;
	_ =	sdelay $0x1  }
0xc0: {  	s31 =	simm.s32 $0x0;
	s1 =	simm.s32 $0xA700;
	[tilespmem:s30+$0xB0] =	vst v0  }
.LBB2_5:
0xc1: {  	v0 =	vld [tilespmem:s1+$0xFFFFFF00];
	s31 =	sadd.s32 $0x4, s31  }
0xc2: {  	p1 =	slt.u32 s31, $0x7C;
	_ =	sdelay $0x3  }
0xc3: {  	v0 =	vmul.f32 $8.000000000e+00, v0  }
0xc4: {  	s30 =	sadd.s32 $0x200, s30  }
0xc5: {  	[tilespmem:s30+$0xFFFFFF00] =	vst v0  }
0xc6: {  	v0 =	vld [tilespmem:s1+$0xFFFFFF10];
	_ =	sdelay $0x4  }
0xc7: {  	v0 =	vmul.f32 $8.000000000e+00, v0;
	_ =	sdelay $0x1  }
0xc8: {  	[tilespmem:s30+$0xFFFFFF10] =	vst v0  }
0xc9: {  	v0 =	vld [tilespmem:s1+$0xFFFFFF20];
	_ =	sdelay $0x4  }
0xca: {  	v0 =	vmul.f32 $8.000000000e+00, v0;
	_ =	sdelay $0x1  }
0xcb: {  	[tilespmem:s30+$0xFFFFFF20] =	vst v0  }
0xcc: {  	v0 =	vld [tilespmem:s1+$0xFFFFFF30];
	_ =	sdelay $0x4  }
0xcd: {  	v0 =	vmul.f32 $8.000000000e+00, v0;
	_ =	sdelay $0x1  }
0xce: {  	[tilespmem:s30+$0xFFFFFF30] =	vst v0  }
0xcf: {  	v0 =	vld [tilespmem:s1+$0xFFFFFF80];
	_ =	sdelay $0x4  }
0xd0: {  	v0 =	vmul.f32 $8.000000000e+00, v0;
	_ =	sdelay $0x1  }
0xd1: {  	[tilespmem:s30+$0xFFFFFF80] =	vst v0  }
0xd2: {  	v0 =	vld [tilespmem:s1+$0xFFFFFF90];
	_ =	sdelay $0x4  }
0xd3: {  	v0 =	vmul.f32 $8.000000000e+00, v0;
	_ =	sdelay $0x1  }
0xd4: {  	[tilespmem:s30+$0xFFFFFF90] =	vst v0  }
0xd5: {  	v0 =	vld [tilespmem:s1+$0xFFFFFFA0];
	_ =	sdelay $0x4  }
0xd6: {  	v0 =	vmul.f32 $8.000000000e+00, v0;
	_ =	sdelay $0x1  }
0xd7: {  	[tilespmem:s30+$0xFFFFFFA0] =	vst v0  }
0xd8: {  	v0 =	vld [tilespmem:s1+$0xFFFFFFB0];
	_ =	sdelay $0x4  }
0xd9: {  	v0 =	vmul.f32 $8.000000000e+00, v0;
	_ =	sdelay $0x1  }
0xda: {  	[tilespmem:s30+$0xFFFFFFB0] =	vst v0  }
0xdb: {  	v0 =	vld [tilespmem:s1+$0x0];
	_ =	sdelay $0x4  }
0xdc: {  	v0 =	vmul.f32 $8.000000000e+00, v0;
	_ =	sdelay $0x1  }
0xdd: {  	[tilespmem:s30+$0x0] =	vst v0  }
0xde: {  	v0 =	vld [tilespmem:s1+$0x10];
	_ =	sdelay $0x4  }
0xdf: {  	v0 =	vmul.f32 $8.000000000e+00, v0;
	_ =	sdelay $0x1  }
0xe0: {  	[tilespmem:s30+$0x10] =	vst v0  }
0xe1: {  	v0 =	vld [tilespmem:s1+$0x20];
	_ =	sdelay $0x4  }
0xe2: {  	v0 =	vmul.f32 $8.000000000e+00, v0;
	_ =	sdelay $0x1  }
0xe3: {  	[tilespmem:s30+$0x20] =	vst v0  }
0xe4: {  	v0 =	vld [tilespmem:s1+$0x30];
	_ =	sdelay $0x4  }
0xe5: {  	v0 =	vmul.f32 $8.000000000e+00, v0;
	_ =	sdelay $0x1  }
0xe6: {  	[tilespmem:s30+$0x30] =	vst v0  }
0xe7: {  	v0 =	vld [tilespmem:s1+$0x80];
	_ =	sdelay $0x4  }
0xe8: {  	v0 =	vmul.f32 $8.000000000e+00, v0;
	_ =	sdelay $0x1  }
0xe9: {  	[tilespmem:s30+$0x80] =	vst v0  }
0xea: {  	v0 =	vld [tilespmem:s1+$0x90];
	_ =	sdelay $0x4  }
0xeb: {  	v0 =	vmul.f32 $8.000000000e+00, v0;
	_ =	sdelay $0x1  }
0xec: {  	[tilespmem:s30+$0x90] =	vst v0  }
0xed: {  	v0 =	vld [tilespmem:s1+$0xA0];
	_ =	sdelay $0x4  }
0xee: {  	v0 =	vmul.f32 $8.000000000e+00, v0;
	_ =	sdelay $0x1  }
0xef: {  	[tilespmem:s30+$0xA0] =	vst v0  }
0xf0: {  	v0 =	vld [tilespmem:s1+$0xB0];
	_ =	sdelay $0x2  }
.Ltmp1:
0xf1: {  	(pc) =	sbr.rel @p1 .LBB2_5-.Ltmp1, $3  }
0xf2: {  	_ = 	snop  }
0xf3: {  	v0 =	vmul.f32 $8.000000000e+00, v0;
	_ =	sdelay $0x1  }
0xf4: {  	s1 =	sadd.s32 $0x200, s1;
	[tilespmem:s30+$0xB0] =	vst v0  }
0xf5: {  	s30 =	sshll.u32 s26, $0x9  }
0xf6: {  	s0 =	sadd.s32 s30, s7  }
0xf7: {  	s0 =	sshll.u32 s0, $0x4  }
0xf8: {  	s0 =	sadd.s32 s4, s0  }
0xf9: {  	[hbm4b:s0+s2] =	stream.linear.scatter [tilespmem:s20], [sflag:$0x6], $0x4000, $0x38;
	[tilespmem:$0x1E400] =	vst v63  }
0xfa: {  	_ =	swait.ge [sflag:s21], $0x4000  }
0xfb: {  	s1 =	simm.s32 @!p0 $0x80;
	[sflag:s21] =	ssyncset.done $0x0  }
0xfc: {  	s31 =	simm.s32 @!p0 $0xA400;
	s0 =	sadd.s32 @!p0 $0x280, s29;
	[sflag:s21] =	ssyncadd.s32 $0xFFFFC000  }
0xfd: {  	[tilespmem:s31], [sflag:$0x2] =	stream.indirect.gather @!p0 [hbm4b:s3+s1], $0x80, s0, s1, $0xb8;
	[tilespmem:$0x1E400] =	vst v63  }
0xfe: {  	_ =	swait.ge [sflag:s22], $0x4000  }
0xff: {  	[sflag:s22] =	ssyncset.done $0x0  }
0x100: {  	s1 =	simm.s32 $0xE500;
	[sflag:s22] =	ssyncadd.s32 $0xFFFFC000  }
0x101: {  	v0 =	vld [tilespmem:s1+$0xFFFFFF00];
	_ =	sdelay $0x4  }
0x102: {  	v0 =	vmul.f32 $8.000000000e+00, v0  }
0x103: {  	s31 =	simm.s32 $0x16500  }
0x104: {  	[tilespmem:s31+$0xFFFFFF00] =	vst v0  }
0x105: {  	v0 =	vld [tilespmem:s1+$0xFFFFFF10];
	_ =	sdelay $0x4  }
0x106: {  	v0 =	vmul.f32 $8.000000000e+00, v0;
	_ =	sdelay $0x1  }
0x107: {  	[tilespmem:s31+$0xFFFFFF10] =	vst v0  }
0x108: {  	v0 =	vld [tilespmem:s1+$0xFFFFFF20];
	_ =	sdelay $0x4  }
0x109: {  	v0 =	vmul.f32 $8.000000000e+00, v0;
	_ =	sdelay $0x1  }
0x10a: {  	[tilespmem:s31+$0xFFFFFF20] =	vst v0  }
0x10b: {  	v0 =	vld [tilespmem:s1+$0xFFFFFF30];
	_ =	sdelay $0x4  }
0x10c: {  	v0 =	vmul.f32 $8.000000000e+00, v0;
	_ =	sdelay $0x1  }
0x10d: {  	[tilespmem:s31+$0xFFFFFF30] =	vst v0  }
0x10e: {  	v0 =	vld [tilespmem:s1+$0xFFFFFF80];
	_ =	sdelay $0x4  }
0x10f: {  	v0 =	vmul.f32 $8.000000000e+00, v0;
	_ =	sdelay $0x1  }
0x110: {  	[tilespmem:s31+$0xFFFFFF80] =	vst v0  }
0x111: {  	v0 =	vld [tilespmem:s1+$0xFFFFFF90];
	_ =	sdelay $0x4  }
0x112: {  	v0 =	vmul.f32 $8.000000000e+00, v0;
	_ =	sdelay $0x1  }
0x113: {  	[tilespmem:s31+$0xFFFFFF90] =	vst v0  }
0x114: {  	v0 =	vld [tilespmem:s1+$0xFFFFFFA0];
	_ =	sdelay $0x4  }
0x115: {  	v0 =	vmul.f32 $8.000000000e+00, v0;
	_ =	sdelay $0x1  }
0x116: {  	[tilespmem:s31+$0xFFFFFFA0] =	vst v0  }
0x117: {  	v0 =	vld [tilespmem:s1+$0xFFFFFFB0];
	_ =	sdelay $0x4  }
0x118: {  	v0 =	vmul.f32 $8.000000000e+00, v0;
	_ =	sdelay $0x1  }
0x119: {  	[tilespmem:s31+$0xFFFFFFB0] =	vst v0  }
0x11a: {  	v0 =	vld [tilespmem:s1+$0x0];
	_ =	sdelay $0x4  }
0x11b: {  	v0 =	vmul.f32 $8.000000000e+00, v0;
	_ =	sdelay $0x1  }
0x11c: {  	[tilespmem:s31+$0x0] =	vst v0  }
0x11d: {  	v0 =	vld [tilespmem:s1+$0x10];
	_ =	sdelay $0x4  }
0x11e: {  	v0 =	vmul.f32 $8.000000000e+00, v0;
	_ =	sdelay $0x1  }
0x11f: {  	[tilespmem:s31+$0x10] =	vst v0  }
0x120: {  	v0 =	vld [tilespmem:s1+$0x20];
	_ =	sdelay $0x4  }
0x121: {  	v0 =	vmul.f32 $8.000000000e+00, v0;
	_ =	sdelay $0x1  }
0x122: {  	[tilespmem:s31+$0x20] =	vst v0  }
0x123: {  	v0 =	vld [tilespmem:s1+$0x30];
	_ =	sdelay $0x4  }
0x124: {  	v0 =	vmul.f32 $8.000000000e+00, v0;
	_ =	sdelay $0x1  }
0x125: {  	[tilespmem:s31+$0x30] =	vst v0  }
0x126: {  	v0 =	vld [tilespmem:s1+$0x80];
	_ =	sdelay $0x4  }
0x127: {  	v0 =	vmul.f32 $8.000000000e+00, v0;
	_ =	sdelay $0x1  }
0x128: {  	[tilespmem:s31+$0x80] =	vst v0  }
0x129: {  	v0 =	vld [tilespmem:s1+$0x90];
	_ =	sdelay $0x4  }
0x12a: {  	v0 =	vmul.f32 $8.000000000e+00, v0;
	_ =	sdelay $0x1  }
0x12b: {  	[tilespmem:s31+$0x90] =	vst v0  }
0x12c: {  	v0 =	vld [tilespmem:s1+$0xA0];
	_ =	sdelay $0x4  }
0x12d: {  	v0 =	vmul.f32 $8.000000000e+00, v0;
	_ =	sdelay $0x1  }
0x12e: {  	[tilespmem:s31+$0xA0] =	vst v0  }
0x12f: {  	v0 =	vld [tilespmem:s1+$0xB0];
	_ =	sdelay $0x4  }
0x130: {  	v0 =	vmul.f32 $8.000000000e+00, v0;
	_ =	sdelay $0x1  }
0x131: {  	s0 =	simm.s32 $0xE700;
	s1 =	simm.s32 $0x0;
	[tilespmem:s31+$0xB0] =	vst v0  }
.LBB2_7:
0x132: {  	v0 =	vld [tilespmem:s0+$0xFFFFFF00];
	s1 =	sadd.s32 $0x4, s1  }
0x133: {  	p1 =	slt.u32 s1, $0x7C;
	_ =	sdelay $0x3  }
0x134: {  	v0 =	vmul.f32 $8.000000000e+00, v0  }
0x135: {  	s31 =	sadd.s32 $0x200, s31  }
0x136: {  	[tilespmem:s31+$0xFFFFFF00] =	vst v0  }
0x137: {  	v0 =	vld [tilespmem:s0+$0xFFFFFF10];
	_ =	sdelay $0x4  }
0x138: {  	v0 =	vmul.f32 $8.000000000e+00, v0;
	_ =	sdelay $0x1  }
0x139: {  	[tilespmem:s31+$0xFFFFFF10] =	vst v0  }
0x13a: {  	v0 =	vld [tilespmem:s0+$0xFFFFFF20];
	_ =	sdelay $0x4  }
0x13b: {  	v0 =	vmul.f32 $8.000000000e+00, v0;
	_ =	sdelay $0x1  }
0x13c: {  	[tilespmem:s31+$0xFFFFFF20] =	vst v0  }
0x13d: {  	v0 =	vld [tilespmem:s0+$0xFFFFFF30];
	_ =	sdelay $0x4  }
0x13e: {  	v0 =	vmul.f32 $8.000000000e+00, v0;
	_ =	sdelay $0x1  }
0x13f: {  	[tilespmem:s31+$0xFFFFFF30] =	vst v0  }
0x140: {  	v0 =	vld [tilespmem:s0+$0xFFFFFF80];
	_ =	sdelay $0x4  }
0x141: {  	v0 =	vmul.f32 $8.000000000e+00, v0;
	_ =	sdelay $0x1  }
0x142: {  	[tilespmem:s31+$0xFFFFFF80] =	vst v0  }
0x143: {  	v0 =	vld [tilespmem:s0+$0xFFFFFF90];
	_ =	sdelay $0x4  }
0x144: {  	v0 =	vmul.f32 $8.000000000e+00, v0;
	_ =	sdelay $0x1  }
0x145: {  	[tilespmem:s31+$0xFFFFFF90] =	vst v0  }
0x146: {  	v0 =	vld [tilespmem:s0+$0xFFFFFFA0];
	_ =	sdelay $0x4  }
0x147: {  	v0 =	vmul.f32 $8.000000000e+00, v0;
	_ =	sdelay $0x1  }
0x148: {  	[tilespmem:s31+$0xFFFFFFA0] =	vst v0  }
0x149: {  	v0 =	vld [tilespmem:s0+$0xFFFFFFB0];
	_ =	sdelay $0x4  }
0x14a: {  	v0 =	vmul.f32 $8.000000000e+00, v0;
	_ =	sdelay $0x1  }
0x14b: {  	[tilespmem:s31+$0xFFFFFFB0] =	vst v0  }
0x14c: {  	v0 =	vld [tilespmem:s0+$0x0];
	_ =	sdelay $0x4  }
0x14d: {  	v0 =	vmul.f32 $8.000000000e+00, v0;
	_ =	sdelay $0x1  }
0x14e: {  	[tilespmem:s31+$0x0] =	vst v0  }
0x14f: {  	v0 =	vld [tilespmem:s0+$0x10];
	_ =	sdelay $0x4  }
0x150: {  	v0 =	vmul.f32 $8.000000000e+00, v0;
	_ =	sdelay $0x1  }
0x151: {  	[tilespmem:s31+$0x10] =	vst v0  }
0x152: {  	v0 =	vld [tilespmem:s0+$0x20];
	_ =	sdelay $0x4  }
0x153: {  	v0 =	vmul.f32 $8.000000000e+00, v0;
	_ =	sdelay $0x1  }
0x154: {  	[tilespmem:s31+$0x20] =	vst v0  }
0x155: {  	v0 =	vld [tilespmem:s0+$0x30];
	_ =	sdelay $0x4  }
0x156: {  	v0 =	vmul.f32 $8.000000000e+00, v0;
	_ =	sdelay $0x1  }
0x157: {  	[tilespmem:s31+$0x30] =	vst v0  }
0x158: {  	v0 =	vld [tilespmem:s0+$0x80];
	_ =	sdelay $0x4  }
0x159: {  	v0 =	vmul.f32 $8.000000000e+00, v0;
	_ =	sdelay $0x1  }
0x15a: {  	[tilespmem:s31+$0x80] =	vst v0  }
0x15b: {  	v0 =	vld [tilespmem:s0+$0x90];
	_ =	sdelay $0x4  }
0x15c: {  	v0 =	vmul.f32 $8.000000000e+00, v0;
	_ =	sdelay $0x1  }
0x15d: {  	[tilespmem:s31+$0x90] =	vst v0  }
0x15e: {  	v0 =	vld [tilespmem:s0+$0xA0];
	_ =	sdelay $0x4  }
0x15f: {  	v0 =	vmul.f32 $8.000000000e+00, v0;
	_ =	sdelay $0x1  }
0x160: {  	[tilespmem:s31+$0xA0] =	vst v0  }
0x161: {  	v0 =	vld [tilespmem:s0+$0xB0];
	_ =	sdelay $0x2  }
.Ltmp2:
0x162: {  	(pc) =	sbr.rel @p1 .LBB2_7-.Ltmp2, $3  }
0x163: {  	_ = 	snop  }
0x164: {  	v0 =	vmul.f32 $8.000000000e+00, v0;
	_ =	sdelay $0x1  }
0x165: {  	s0 =	sadd.s32 $0x200, s0;
	[tilespmem:s31+$0xB0] =	vst v0  }
0x166: {  	s0 =	sadd.s32 s30, s8  }
0x167: {  	s0 =	sshll.u32 s0, $0x4  }
0x168: {  	s0 =	sadd.s32 s4, s0  }
0x169: {  	[hbm4b:s0+s2] =	stream.linear.scatter [tilespmem:s18], [sflag:$0x5], $0x4000, $0x38;
	[tilespmem:$0x1E400] =	vst v63  }
0x16a: {  	_ =	swait.ge [sflag:s23], $0x4000  }
0x16b: {  	s1 =	simm.s32 @!p0 $0x80;
	[sflag:s23] =	ssyncset.done $0x0  }
0x16c: {  	s0 =	sadd.s32 @!p0 $0x300, s29;
	s29 =	simm.s32 @!p0 $0xE400;
	[sflag:s23] =	ssyncadd.s32 $0xFFFFC000  }
0x16d: {  	[tilespmem:s29], [sflag:$0x3] =	stream.indirect.gather @!p0 [hbm4b:s3+s1], $0x80, s0, s1, $0xb8;
	[tilespmem:$0x1E400] =	vst v63  }
0x16e: {  	_ =	swait.ge [sflag:s24], $0x4000  }
0x16f: {  	[sflag:s24] =	ssyncset.done $0x0  }
0x170: {  	s31 =	simm.s32 $0x12500;
	[sflag:s24] =	ssyncadd.s32 $0xFFFFC000  }
0x171: {  	v0 =	vld [tilespmem:s31+$0xFFFFFF00];
	_ =	sdelay $0x4  }
0x172: {  	v0 =	vmul.f32 $8.000000000e+00, v0  }
0x173: {  	s29 =	simm.s32 $0x1A500  }
0x174: {  	[tilespmem:s29+$0xFFFFFF00] =	vst v0  }
0x175: {  	v0 =	vld [tilespmem:s31+$0xFFFFFF10];
	_ =	sdelay $0x4  }
0x176: {  	v0 =	vmul.f32 $8.000000000e+00, v0;
	_ =	sdelay $0x1  }
0x177: {  	[tilespmem:s29+$0xFFFFFF10] =	vst v0  }
0x178: {  	v0 =	vld [tilespmem:s31+$0xFFFFFF20];
	_ =	sdelay $0x4  }
0x179: {  	v0 =	vmul.f32 $8.000000000e+00, v0;
	_ =	sdelay $0x1  }
0x17a: {  	[tilespmem:s29+$0xFFFFFF20] =	vst v0  }
0x17b: {  	v0 =	vld [tilespmem:s31+$0xFFFFFF30];
	_ =	sdelay $0x4  }
0x17c: {  	v0 =	vmul.f32 $8.000000000e+00, v0;
	_ =	sdelay $0x1  }
0x17d: {  	[tilespmem:s29+$0xFFFFFF30] =	vst v0  }
0x17e: {  	v0 =	vld [tilespmem:s31+$0xFFFFFF80];
	_ =	sdelay $0x4  }
0x17f: {  	v0 =	vmul.f32 $8.000000000e+00, v0;
	_ =	sdelay $0x1  }
0x180: {  	[tilespmem:s29+$0xFFFFFF80] =	vst v0  }
0x181: {  	v0 =	vld [tilespmem:s31+$0xFFFFFF90];
	_ =	sdelay $0x4  }
0x182: {  	v0 =	vmul.f32 $8.000000000e+00, v0;
	_ =	sdelay $0x1  }
0x183: {  	[tilespmem:s29+$0xFFFFFF90] =	vst v0  }
0x184: {  	v0 =	vld [tilespmem:s31+$0xFFFFFFA0];
	_ =	sdelay $0x4  }
0x185: {  	v0 =	vmul.f32 $8.000000000e+00, v0;
	_ =	sdelay $0x1  }
0x186: {  	[tilespmem:s29+$0xFFFFFFA0] =	vst v0  }
0x187: {  	v0 =	vld [tilespmem:s31+$0xFFFFFFB0];
	_ =	sdelay $0x4  }
0x188: {  	v0 =	vmul.f32 $8.000000000e+00, v0;
	_ =	sdelay $0x1  }
0x189: {  	[tilespmem:s29+$0xFFFFFFB0] =	vst v0  }
0x18a: {  	v0 =	vld [tilespmem:s31+$0x0];
	_ =	sdelay $0x4  }
0x18b: {  	v0 =	vmul.f32 $8.000000000e+00, v0;
	_ =	sdelay $0x1  }
0x18c: {  	[tilespmem:s29+$0x0] =	vst v0  }
0x18d: {  	v0 =	vld [tilespmem:s31+$0x10];
	_ =	sdelay $0x4  }
0x18e: {  	v0 =	vmul.f32 $8.000000000e+00, v0;
	_ =	sdelay $0x1  }
0x18f: {  	[tilespmem:s29+$0x10] =	vst v0  }
0x190: {  	v0 =	vld [tilespmem:s31+$0x20];
	_ =	sdelay $0x4  }
0x191: {  	v0 =	vmul.f32 $8.000000000e+00, v0;
	_ =	sdelay $0x1  }
0x192: {  	[tilespmem:s29+$0x20] =	vst v0  }
0x193: {  	v0 =	vld [tilespmem:s31+$0x30];
	_ =	sdelay $0x4  }
0x194: {  	v0 =	vmul.f32 $8.000000000e+00, v0;
	_ =	sdelay $0x1  }
0x195: {  	[tilespmem:s29+$0x30] =	vst v0  }
0x196: {  	v0 =	vld [tilespmem:s31+$0x80];
	_ =	sdelay $0x4  }
0x197: {  	v0 =	vmul.f32 $8.000000000e+00, v0;
	_ =	sdelay $0x1  }
0x198: {  	[tilespmem:s29+$0x80] =	vst v0  }
0x199: {  	v0 =	vld [tilespmem:s31+$0x90];
	_ =	sdelay $0x4  }
0x19a: {  	v0 =	vmul.f32 $8.000000000e+00, v0;
	_ =	sdelay $0x1  }
0x19b: {  	[tilespmem:s29+$0x90] =	vst v0  }
0x19c: {  	v0 =	vld [tilespmem:s31+$0xA0];
	_ =	sdelay $0x4  }
0x19d: {  	v0 =	vmul.f32 $8.000000000e+00, v0;
	_ =	sdelay $0x1  }
0x19e: {  	[tilespmem:s29+$0xA0] =	vst v0  }
0x19f: {  	v0 =	vld [tilespmem:s31+$0xB0];
	_ =	sdelay $0x4  }
0x1a0: {  	v0 =	vmul.f32 $8.000000000e+00, v0;
	_ =	sdelay $0x1  }
0x1a1: {  	s1 =	simm.s32 $0x0;
	s0 =	simm.s32 $0x12700;
	[tilespmem:s29+$0xB0] =	vst v0  }
.LBB2_9:
0x1a2: {  	v0 =	vld [tilespmem:s0+$0xFFFFFF00];
	s1 =	sadd.s32 $0x4, s1  }
0x1a3: {  	p0 =	slt.u32 s1, $0x7C;
	_ =	sdelay $0x3  }
0x1a4: {  	v0 =	vmul.f32 $8.000000000e+00, v0  }
0x1a5: {  	s29 =	sadd.s32 $0x200, s29  }
0x1a6: {  	[tilespmem:s29+$0xFFFFFF00] =	vst v0  }
0x1a7: {  	v0 =	vld [tilespmem:s0+$0xFFFFFF10];
	_ =	sdelay $0x4  }
0x1a8: {  	v0 =	vmul.f32 $8.000000000e+00, v0;
	_ =	sdelay $0x1  }
0x1a9: {  	[tilespmem:s29+$0xFFFFFF10] =	vst v0  }
0x1aa: {  	v0 =	vld [tilespmem:s0+$0xFFFFFF20];
	_ =	sdelay $0x4  }
0x1ab: {  	v0 =	vmul.f32 $8.000000000e+00, v0;
	_ =	sdelay $0x1  }
0x1ac: {  	[tilespmem:s29+$0xFFFFFF20] =	vst v0  }
0x1ad: {  	v0 =	vld [tilespmem:s0+$0xFFFFFF30];
	_ =	sdelay $0x4  }
0x1ae: {  	v0 =	vmul.f32 $8.000000000e+00, v0;
	_ =	sdelay $0x1  }
0x1af: {  	[tilespmem:s29+$0xFFFFFF30] =	vst v0  }
0x1b0: {  	v0 =	vld [tilespmem:s0+$0xFFFFFF80];
	_ =	sdelay $0x4  }
0x1b1: {  	v0 =	vmul.f32 $8.000000000e+00, v0;
	_ =	sdelay $0x1  }
0x1b2: {  	[tilespmem:s29+$0xFFFFFF80] =	vst v0  }
0x1b3: {  	v0 =	vld [tilespmem:s0+$0xFFFFFF90];
	_ =	sdelay $0x4  }
0x1b4: {  	v0 =	vmul.f32 $8.000000000e+00, v0;
	_ =	sdelay $0x1  }
0x1b5: {  	[tilespmem:s29+$0xFFFFFF90] =	vst v0  }
0x1b6: {  	v0 =	vld [tilespmem:s0+$0xFFFFFFA0];
	_ =	sdelay $0x4  }
0x1b7: {  	v0 =	vmul.f32 $8.000000000e+00, v0;
	_ =	sdelay $0x1  }
0x1b8: {  	[tilespmem:s29+$0xFFFFFFA0] =	vst v0  }
0x1b9: {  	v0 =	vld [tilespmem:s0+$0xFFFFFFB0];
	_ =	sdelay $0x4  }
0x1ba: {  	v0 =	vmul.f32 $8.000000000e+00, v0;
	_ =	sdelay $0x1  }
0x1bb: {  	[tilespmem:s29+$0xFFFFFFB0] =	vst v0  }
0x1bc: {  	v0 =	vld [tilespmem:s0+$0x0];
	_ =	sdelay $0x4  }
0x1bd: {  	v0 =	vmul.f32 $8.000000000e+00, v0;
	_ =	sdelay $0x1  }
0x1be: {  	[tilespmem:s29+$0x0] =	vst v0  }
0x1bf: {  	v0 =	vld [tilespmem:s0+$0x10];
	_ =	sdelay $0x4  }
0x1c0: {  	v0 =	vmul.f32 $8.000000000e+00, v0;
	_ =	sdelay $0x1  }
0x1c1: {  	[tilespmem:s29+$0x10] =	vst v0  }
0x1c2: {  	v0 =	vld [tilespmem:s0+$0x20];
	_ =	sdelay $0x4  }
0x1c3: {  	v0 =	vmul.f32 $8.000000000e+00, v0;
	_ =	sdelay $0x1  }
0x1c4: {  	[tilespmem:s29+$0x20] =	vst v0  }
0x1c5: {  	v0 =	vld [tilespmem:s0+$0x30];
	_ =	sdelay $0x4  }
0x1c6: {  	v0 =	vmul.f32 $8.000000000e+00, v0;
	_ =	sdelay $0x1  }
0x1c7: {  	[tilespmem:s29+$0x30] =	vst v0  }
0x1c8: {  	v0 =	vld [tilespmem:s0+$0x80];
	_ =	sdelay $0x4  }
0x1c9: {  	v0 =	vmul.f32 $8.000000000e+00, v0;
	_ =	sdelay $0x1  }
0x1ca: {  	[tilespmem:s29+$0x80] =	vst v0  }
0x1cb: {  	v0 =	vld [tilespmem:s0+$0x90];
	_ =	sdelay $0x4  }
0x1cc: {  	v0 =	vmul.f32 $8.000000000e+00, v0;
	_ =	sdelay $0x1  }
0x1cd: {  	[tilespmem:s29+$0x90] =	vst v0  }
0x1ce: {  	v0 =	vld [tilespmem:s0+$0xA0];
	_ =	sdelay $0x4  }
0x1cf: {  	v0 =	vmul.f32 $8.000000000e+00, v0;
	_ =	sdelay $0x1  }
0x1d0: {  	[tilespmem:s29+$0xA0] =	vst v0  }
0x1d1: {  	v0 =	vld [tilespmem:s0+$0xB0];
	_ =	sdelay $0x2  }
.Ltmp3:
0x1d2: {  	(pc) =	sbr.rel @p0 .LBB2_9-.Ltmp3, $3  }
0x1d3: {  	_ = 	snop  }
0x1d4: {  	v0 =	vmul.f32 $8.000000000e+00, v0;
	_ =	sdelay $0x1  }
0x1d5: {  	s0 =	sadd.s32 $0x200, s0;
	[tilespmem:s29+$0xB0] =	vst v0  }
0x1d6: {  	s26 =	sadd.s32 $0x1, s26  }
0x1d7: {  	p0 =	sne.s32 s26, $0x32  }
.Ltmp4:
0x1d8: {  	s0 =	sshll.u32 s28, $0xE;
	(pc) =	sbr.rel @p0 .LBB2_2-.Ltmp4, $4  }
0x1d9: {  	s0 =	sadd.s32 s6, s0  }
0x1da: {  	s0 =	sshrl.u32 s0, $0x3  }
0x1db: {  	s0 =	sadd.s32 s4, s0  }
0x1dc: {  	[hbm4b:s0+s2] =	stream.linear.scatter [tilespmem:s20], [sflag:$0x6], $0x4000, $0x38;
	[tilespmem:$0x1E400] =	vst v63  }
0x1dd: {  	s25 =	sadd.s32 $0x1, s25  }
0x1de: {  	_ =	swait.ge [sflag:s22], $0x4000;
	p0 =	sne.s32 s25, s9  }
.Ltmp5:
0x1df: {  	[sflag:s22] =	ssyncset.done $0x0;
	(pc) =	sbr.rel @p0 .LBB2_1-.Ltmp5, $4  }
0x1e0: {  	[sflag:s22] =	ssyncadd.s32 $0xFFFFC000  }
0x1e1: {  	_ =	swait.ge [sflag:s24], $0x4000  }
0x1e2: {  	[sflag:s24] =	ssyncset.done $0x0  }
0x1e3: {  	[sflag:s24] =	ssyncadd.s32 $0xFFFFC000  }
0x1e4: {  	_ =	sfence.sel $0x180000  }
0x1e5: {  	[bflag:$0x0] =	sbarrier.arrive $0xFFFF  }
0x1e6: {  	_ =	strace $0x90000047  }
0x1e7: {  	s0 =	stileid.u32;
	[bflag:$0x2] =	sbarrier.arrive $0xFFFF  }
0x1e8: {  	p0 =	sne.s32 s0, $0x0;
	s0 =	rddreg [dreg:$0x2]  }
0x1e9: {  	s0 =	sadd.s32 @!p0 $0x100000, s0  }
0x1ea: {  	[sflag:s0] =	ssyncadd.tile.s32 @!p0 $0x1;
	_ =	shalt  }
.Lfunc_end2:
_tile_overlayer_lowered:
.L_overlay_start_2:
0x1eb: {  	(tag) =	ssettag $0x2  }
0x1ec: {  	s0 =	rddreg [dreg:$0x0];
	s2 =	stileid.u32  }
0x1ed: {  	s1 =	rddreg [dreg:$0x1];
	p0 =	sne.s32 s2, $0x0  }
0x1ee: {  	s3 =	rddreg [dreg:$0x2];
	[bflag:$0x3] =	sbarrier.arrive $0xFFFF;
	s2 =	simm.s32 @!p0 $0x1C07  }
0x1ef: {  	[timem:s3], [sflag:s2] =	dma.local @!p0 [hbm:s0], s1  }
0x1f0: {  	s0 =	simm.s32 @!p0 $0x7  }
0x1f1: {  	_ =	swait.ge @!p0 [sflag:s0], s1  }
0x1f2: {  	s1 =	ssub.s32 @!p0 $0x0, s1;
	[sflag:s0] =	ssyncset.done @!p0 $0x0  }
0x1f3: {  	[sflag:s0] =	ssyncadd.s32 @!p0 s1  }
0x1f4: {  	[bflag:$0x3] =	sbarrier.arrive $0xFFFF  }
0x1f5: {  	_ =	shalt  }

// kernel: sparse-core-data-format-call.cloned.1.call-start
scs
called_computation_lowered:
.L_overlay_start_0:
0x0: {  	s2 =	sld [smem:$0x3FD9]  }
0x1: {  	s3 =	sld [smem:$0x3FFE];
	_ =	sdelay $0x1  }
0x2: {  	s1 =	srdreg.scid  }
0x3: {  	s0 =	sand.u32 $0x1, s1  }
0x4: {  	s18 =	sshll.u32 s0, $0xA;
	s2 =	sadd.s32 s3, s2  }
0x5: {  	s2 =	sadd.s32 s2, s18  }
0x6: {  	[smem:$0x3FC6] =	sst s2  }
0x7: {  	_ = 	snop  }
0x8: {  	s2 =	sld [smem:$0x3FD0];
	(tm) =	ssettm $0x1  }
0x9: {  	s19 =	sld [smem:$0x3FFB];
	_ =	sdelay $0x3  }
0xa: {  	_ =	strace s19  }
0xb: {  	s3 =	sld [smem:$0x3FFC];
	_ =	sdelay $0x3  }
0xc: {  	_ =	strace s3  }
0xd: {  	s3 =	sld [smem:$0x3FFD];
	_ =	sdelay $0x3  }
0xe: {  	_ =	strace s3  }
0xf: {  	_ =	strace $0x8FFFFFFF  }
0x10: {  	s20 =	sld [smem:$0x3FDB];
	_ =	sdelay $0x1  }
0x11: {  	s4 =	simm.s32 $_scs_section_size  }
0x12: {  	s5 =	simm.s32 $_size__tile_overlayer_lowered;
	s6 =	simm.s32 $_tile_overlayer_lowered  }
0x13: {  	s23 =	simm.s32 $0x1BFF;
	s22 =	sshll.u32 s6, $0x1;
	s3 =	sadd.s32 s4, s20  }
0x14: {  	s7 =	simm.s32 $0x0;
	s21 =	sshll.u32 s5, $0x1;
	s5 =	sadd.s32 s22, s3  }
0x15: {  	[timem:s7], [sflag:s23] =	dma.local [hbm:s5], s21  }
0x16: {  	_ =	swait.ge [sflag:s23], s21  }
0x17: {  	s4 =	ssub.s32 $0x0, s21;
	[sflag:s23] =	ssyncset.done $0x0  }
0x18: {  	[sflag:s23] =	ssyncadd.s32 s4;
	_ =	sdelay $0x1  }
0x19: {  	s24 =	simm.s32 $0x1B8B  }
0x1a: {  	_ =	swait.ge [sflag:s24], $0x1  }
0x1b: {  	[sflag:s24] =	ssyncset.done $0x0  }
0x1c: {  	s26 =	simm.s32 $0x1B8E;
	s25 =	sld [smem:$0x3FFE];
	[sflag:s24] =	ssyncadd.s32 $0xFFFFFFFF  }
0x1d: {  	s27 =	simm.s32 $execute0_lowered;
	[smem:$0x3FD2] =	sst s26  }
0x1e: {  	s5 =	sshll.u32 s27, $0x1;
	_ =	strace $0x80000049;
	[dreg:$0x1] =	wrdreg $0xFFFFFFFF  }
0x1f: {  	s28 =	simm.s32 $_size_execute0_lowered;
	s3 =	sadd.s32 s3, s5;
	[dreg:$0x0] =	wrdreg $0x0  }
0x20: {  	s5 =	sshll.u32 s28, $0x1;
	[dreg:$0x2] =	wrdreg s3  }
0x21: {  	[dreg:$0x3] =	wrdreg s5  }
0x22: {  	[dreg:$0x4] =	wrdreg $0xC0  }
0x23: {  	_ =	task [dreg:s7], $0x5FFFF  }
0x24: {  	[dreg:$0x1] =	wrdreg $0xFFFFFFFF  }
0x25: {  	[dreg:$0x0] =	wrdreg $0x60  }
0x26: {  	[dreg:$0x2] =	wrdreg s25  }
0x27: {  	[dreg:$0x3] =	wrdreg s2  }
0x28: {  	[dreg:$0x4] =	wrdreg $0x9  }
0x29: {  	_ =	task.clear_ibuf [dreg:s7], $0x5FFFF;
	_ =	strace $0x90000049  }
0x2a: {  	s29 =	simm.s32 $0x9;
	_ =	strace $0x8000004B  }
0x2b: {  	_ =	swait.ge [sflag:s29], $0x1  }
0x2c: {  	[sflag:s29] =	ssyncadd.s32 $0xFFFFFFFF  }
0x2d: {  	_ =	strace $0x9000004B  }
0x2e: {  	_ =	sfence  }
0x2f: {  	s30 =	sld [smem:$0x0];
	_ =	sdelay $0x2  }
0x30: {  	s31 =	sshll.u32 s1, $0xD;
	s1 =	sshrl.u32 s1, $0x2  }
0x31: {  	s3 =	sand.u32 $0x4000, s31;
	s1 =	sadd.s32 s1, s30  }
0x32: {  	s0 =	sor.u32 s3, s0;
	s1 =	sshll.u32 s1, $0x11  }
0x33: {  	s0 =	sor.u32 s1, s0  }
0x34: {  	s0 =	sadd.s32 $0x8F2B, s0  }
0x35: {  	[sflag:s0] =	ssyncadd.remote.s32 $0x1  }
0x36: {  	_ =	sfence.sel $0xFFFF  }
0x37: {  	[dreg:$0x0] =	wrdreg $0xFFFFFFFF;
	(pc) =	sbr.abs _section_cstart, $3  }
0x38: {  	[dreg:$0x1] =	wrdreg $0xFFFFFFFF  }
0x39: {  	_ =	task.clear_ibuf [dreg:s7], $0x2FFFF;
	_ =	strace $0x9FFFFFFF  }
0x3a: {  	(tm) =	ssettm $0x7FFFFFFF  }
0x3b: {  	_ =	shalt  }
tec
execute0_lowered:
.L_overlay_start_1:
0x0: {  	(tag) =	ssettag $0x1  }
0x1: {  	s0 =	srdreg.scid  }
0x2: {  	s1 =	sshll.u32 s0, $0x4  }
0x3: {  	s0 =	stileid.u32;
	s1 =	sand.u32 $0x10, s1  }
0x4: {  	s1 =	sor.u32 s0, s1  }
0x5: {  	s6 =	rddreg [dreg:$0x0];
	s4 =	simm.s32 $0x1;
	s2 =	sshll.u32 s1, $0x7  }
0x6: {  	s7 =	simm.s32 $0x2;
	s12 =	simm.s32 $0x0;
	s1 =	ssub.s32 $0x1000, s2  }
0x7: {  	s8 =	simm.s32 $0x8000;
	s13 =	simm.s32 $0x0;
	s3 =	sand.u32 $0xF80, s1  }
0x8: {  	s9 =	simm.s32 $0x0;
	s5 =	sshrl.u32 s1, $0xC;
	p0 =	sne.s32 s3, $0x0  }
.Ltmp0:
0x9: {  	s1 =	rddreg [dreg:$0x2];
	s4 =	simm.s32 @!p0 $0x0;
	(pc) =	sbr.rel .LBB1_1-.Ltmp0, $4  }
0xa: {  	s11 =	simm.s32 $0x0;
	s3 =	rddreg [dreg:$0x1];
	s5 =	sadd.s32 s4, s5  }
0xb: {  	_ =	strace $0x8000004A;
	s4 =	simm.s32 $0x1;
	s5 =	smul.u32 $0xC8, s5  }
0xc: {  	s6 =	sadd.s32 $0xA00, s6;
	s10 =	smov.u32 s2;
	[sflag:s4] =	ssyncpa.u1 $0x0  }
0xd: {  	p0 =	por $0x0, $0x0;
	[sflag:s7] =	ssyncpa.u1 $0x0;
	s7 =	sor.u32 $0x1, s5  }
.LBB1_4:
0xe: {  	s16 =	sshll.u32 s13, $0x3;
	s17 =	sand.u32 $0x78, s13  }
0xf: {  	s30 =	sand.u32 $0x7E00, s13;
	s12 =	sshll.u32 s12, $0xF;
	s16 =	sand.u32 $0xC00, s16  }
0x10: {  	[tilespmem:s15+$0x810 ss:$0x81] =	vst.msk $0xffff, v2;
	s31 =	sand.u32 $0x7, s13;
	s16 =	sor.u32 s17, s16;
	s17 =	sadd.s32 s3, s30  }
0x11: {  	[tilespmem:s15+$0x1020 ss:$0x81] =	vst.msk $0xffff, v0;
	s13 =	sshll.u32 s31, $0x12;
	s12 =	sadd.s32 s12, s17;
	s16 =	sshrl.u32 s16, $0x3  }
0x12: {  	[tilespmem:s15+$0x0 ss:$0x81] =	vst.msk $0xffff, v1;
	s13 =	sor.u32 $0x400, s13;
	s12 =	sadd.s32 s16, s12  }
0x13: {  	[hbm4b:s12+s13] =	stream.strided.scatter [tilespmem:s14], [sflag:$0x2], $0x2000, s8, s13, $0x20;
	[tilespmem:$0x8080] =	vst v63  }
.LBB1_5:
0x14: {  	s14 =	sadd.s32 $0x1, s9  }
0x15: {  	s12 =	sadd.s32 $0x1000, s10;
	s16 =	smov.u32 s10;
	p2 =	sgt.s32 s14, $0xC7  }
0x16: {  	s16 =	smov.u32 @p2 s12  }
0x17: {  	s14 =	simm.s32 @p2 $0x0;
	p2 =	sgt.s32 s16, $0xFFF  }
0x18: {  	s16 =	smov.u32 @p2 s2;
	p2 =	sne.s32 s11, s7  }
.Ltmp1:
0x19: {  	p1 =	slt.u32 s11, $0x2;
	(pc) =	sbr.rel @!p2 .LBB1_6-.Ltmp1, $4  }
0x1a: {  	s15 =	simm.s32 @!p1 $0x2  }
0x1b: {  	s13 =	smov.u32 s10;
	p0 =	por !p0, !p0;
	_ =	swait.ge @!p1 [sflag:s15], $0x2000  }
0x1c: {  	s12 =	smov.u32 s9;
	[sflag:s15] =	ssyncset.done @!p1 $0x0;
	s9 =	smov.u32 s14  }
0x1d: {  	s11 =	sadd.s32 $0x1, s11;
	[sflag:s15] =	ssyncadd.s32 @!p1 $0xFFFFE000;
	s10 =	smov.u32 s16  }
.LBB1_1:
0x1e: {  	p1 =	sge.u32 s11, s5  }
0x1f: {  	s14 =	sand.u32 @!p1 $0x1FFFFFF, s9  }
0x20: {  	s15 =	smulhi.u32 @!p1 $0x147AE15, s14;
	_ =	sdelay $0x1  }
0x21: {  	s15 =	smul.u32 @!p1 $0xC8, s15  }
0x22: {  	s16 =	sxor.u32 @!p1 $0xFFFFFFFF, s11;
	s17 =	smul.u32 @!p1 $0xC80, s10  }
0x23: {  	s31 =	sadd.s32 $0xFFFFFFFF, s11;
	s16 =	sshll.u32 @!p1 s16, $0xD;
	s14 =	ssub.s32 @!p1 s14, s15  }
0x24: {  	s15 =	sand.u32 @!p1 $0x2000, s16;
	s16 =	sadd.s32 @!p1 s6, s17;
	s14 =	sshll.u32 @!p1 s14, $0x4  }
0x25: {  	s17 =	simm.s32 @!p1 $0x6400;
	s14 =	sadd.s32 @!p1 s14, s16;
	s16 =	simm.s32 @!p1 $0x40  }
0x26: {  	[tilespmem:s15], [sflag:$0x1] =	stream.strided.gather @!p1 [hbm4b:s14+s16], $0x2000, s17, s16, $0x38;
	[tilespmem:$0x8080] =	vst v63  }
0x27: {  	p1 =	sge.u32 s31, s5  }
.Ltmp2:
0x28: {  	_ = 	snop;
	(pc) =	sbr.rel @p1 .LBB1_5-.Ltmp2, $1  }
0x29: {  	_ =	sdelay $0x3  }
0x2a: {  	s14 =	simm.s32 $0x1  }
0x2b: {  	_ =	swait.ge [sflag:s4], $0x2000;
	s14 =	simm.s32 @!p0 $0x0  }
0x2c: {  	[sflag:s4] =	ssyncset.done $0x0;
	s15 =	sshll.u32 s14, $0xD  }
0x2d: {  	[sflag:s4] =	ssyncadd.s32 $0xFFFFE000;
	s18 =	sor.u32 $0x20, s15  }
0x2e: {  	s14 =	smul.u32 $0x8100, s14;
	v3 =	vld [tilespmem:s18+$0x10]  }
0x2f: {  	s30 =	sand.u32 $0x1, s11;
	v2 =	vld [tilespmem:s18+$0xFFFFFFF0]  }
0x30: {  	s15 =	smul.u32 $0x8100, s30;
	s14 =	sshrl.u32 s14, $0x2;
	v0 =	vld [tilespmem:s18+$0x0]  }
0x31: {  	v1 =	vld [tilespmem:s18+$0xFFFFFFE0];
	s16 =	sor.u32 $0x4000, s14  }
0x32: {  	s31 =	sshrl.u32 s15, $0x2;
	s15 =	sadd.s32 $0x0, s16  }
0x33: {  	s17 =	simm.s32 $0x4;
	s18 =	sadd.s32 $0x40, s18;
	s14 =	sor.u32 $0x4000, s31;
	[tilespmem:s15+$0x1830 ss:$0x81] =	vst.msk $0xffff, v3  }
.LBB1_3:
0x34: {  	v3 =	vld [tilespmem:s18+$0x10];
	p1 =	sne.s32 s17, $0x1FC;
	[tilespmem:s15+$0x810 ss:$0x81] =	vst.msk $0xffff, v2;
	s19 =	smov.u32 s17;
	s17 =	sadd.s32 $0x4, s17  }
.Ltmp3:
0x35: {  	v2 =	vld [tilespmem:s18+$0xFFFFFFF0];
	[tilespmem:s15+$0x1020 ss:$0x81] =	vst.msk $0xffff, v0;
	(pc) =	sbr.rel @p1 .LBB1_3-.Ltmp3, $4  }
0x36: {  	v0 =	vld [tilespmem:s18+$0x0];
	[tilespmem:s15+$0x0 ss:$0x81] =	vst.msk $0xffff, v1  }
0x37: {  	s15 =	sshra.s32 s19, $0x2;
	v1 =	vld [tilespmem:s18+$0xFFFFFFE0]  }
0x38: {  	s15 =	sadd.s32 s15, s16  }
0x39: {  	s18 =	sadd.s32 $0x40, s18;
	[tilespmem:s15+$0x1830 ss:$0x81] =	vst.msk $0xffff, v3  }
.Ltmp4:
0x3a: {  	_ = 	snop;
	(pc) =	sbr.rel .LBB1_4-.Ltmp4, $1  }
0x3b: {  	_ =	sdelay $0x3  }
.LBB1_6:
0x3c: {  	_ =	sfence.sel $0x180000  }
0x3d: {  	s2 =	simm.s32 $0x1;
	[bflag:$0x0] =	sbarrier.arrive $0xFFFF  }
0x3e: {  	s31 =	simm.s32 $0x2;
	[sflag:s2] =	ssyncpa.u1 $0x1  }
0x3f: {  	[sflag:s31] =	ssyncpa.u1 $0x1  }
0x40: {  	p0 =	sne.s32 s0, $0x0;
	_ =	strace $0x9000004A  }
0x41: {  	s0 =	sadd.s32 @!p0 $0x100000, s1;
	[bflag:$0x2] =	sbarrier.arrive $0xFFFF  }
0x42: {  	[sflag:s0] =	ssyncadd.tile.s32 @!p0 $0x1;
	_ =	shalt  }
.Lfunc_end1:
_tile_overlayer_lowered:
.L_overlay_start_2:
0x43: {  	(tag) =	ssettag $0x2  }
0x44: {  	s0 =	rddreg [dreg:$0x0];
	s2 =	stileid.u32  }
0x45: {  	s1 =	rddreg [dreg:$0x1];
	p0 =	sne.s32 s2, $0x0  }
0x46: {  	s3 =	rddreg [dreg:$0x2];
	[bflag:$0x3] =	sbarrier.arrive $0xFFFF;
	s2 =	simm.s32 @!p0 $0x1C01  }
0x47: {  	[timem:s3], [sflag:s2] =	dma.local @!p0 [hbm:s0], s1  }
0x48: {  	s0 =	simm.s32 @!p0 $0x1  }
0x49: {  	_ =	swait.ge @!p0 [sflag:s0], s1  }
0x4a: {  	s1 =	ssub.s32 @!p0 $0x0, s1;
	[sflag:s0] =	ssyncset.done @!p0 $0x0  }
0x4b: {  	[sflag:s0] =	ssyncadd.s32 @!p0 s1  }
0x4c: {  	[bflag:$0x3] =	sbarrier.arrive $0xFFFF  }
0x4d: {  	_ =	shalt  }

</sc_bundles>
